<compile_context>
chip_gen: v7x
topology: tpu7x:2x2x1
jax: 0.10.2.dev20260603
libtpu: 0.0.44.dev20260713+nightly
codegen_flags: <defaults>
</compile_context>

<pallas_src>
import functools

import jax
import jax.numpy as jnp
from jax import lax
from jax.experimental import pallas as pl
from jax.experimental.pallas import tpu as pltpu
from jax.experimental.pallas import tpu_sc as plsc

N = 10000
E = 160000
D = 256
H = 128

N_PAD = 10240
E_CHUNKS = 1280
E_PAD = E_CHUNKS * 128
CPT = E_CHUNKS // 16
CPT_DEG = E_CHUNKS // 32
RPT = N_PAD // 16
NBUF = 2
CPT2 = CPT // 2

BN = 1024


def _deg_body(colb, out0, out1, col_v, ones_v, zbuf, deg_sh):
  c = lax.axis_index("c")
  s = lax.axis_index("s")
  for k in range(8):
    ones_v[pl.ds(k * 16, 16)] = jnp.ones((16,), jnp.float32)
  for k in range(RPT // 16):
    zbuf[pl.ds(k * 16, 16)] = jnp.zeros((16,), jnp.float32)
  pltpu.sync_copy(zbuf, deg_sh.at[pl.ds(s * RPT, RPT)])
  base = (c * 16 + s) * CPT_DEG
  pltpu.sync_copy(colb.at[pl.ds(base, CPT_DEG)], col_v)
  plsc.subcore_barrier()

  def body(j, carry):
    pltpu.sync_copy(ones_v, deg_sh.at[col_v.at[j]], add=True)
    return carry

  lax.fori_loop(0, CPT_DEG, body, 0)
  plsc.subcore_barrier()

  @pl.when(c == 0)
  def _():
    pltpu.sync_copy(deg_sh.at[pl.ds(s * RPT, RPT)], out0.at[pl.ds(s * RPT, RPT)])

  @pl.when(c == 1)
  def _():
    pltpu.sync_copy(deg_sh.at[pl.ds(s * RPT, RPT)], out1.at[pl.ds(s * RPT, RPT)])


_deg_kernel = functools.partial(
    pl.kernel,
    out_type=[
        jax.ShapeDtypeStruct((N_PAD,), jnp.float32),
        jax.ShapeDtypeStruct((N_PAD,), jnp.float32),
    ],
    mesh=plsc.VectorSubcoreMesh(core_axis_name="c", subcore_axis_name="s"),
    scratch_types=[
        pltpu.VMEM((CPT_DEG, 128), jnp.int32),
        pltpu.VMEM((128,), jnp.float32),
        pltpu.VMEM((RPT,), jnp.float32),
        pltpu.VMEM_SHARED((N_PAD,), jnp.float32),
    ],
)(_deg_body)


def _agg_body(xs0, xs1, colb, rowb, zeros2d, out,
              col_v, row_v, gb0, gb1, sm0, sm1, agg_sh):
  gbufs = (gb0, gb1)
  sems = (sm0, sm1)
  c = lax.axis_index("c")
  s = lax.axis_index("s")

  def run(table, half):
    def gather(j, k):
      return pltpu.async_copy(table.at[col_v.at[j]], gbufs[k], sems[k])

    def scatter(j, k):
      pltpu.sync_copy(gbufs[k], agg_sh.at[row_v.at[j]], add=True)

    for phase in range(2):
      base = s * CPT + phase * CPT2
      pltpu.sync_copy(colb.at[pl.ds(base, CPT2)], col_v)
      pltpu.sync_copy(rowb.at[pl.ds(base, CPT2)], row_v)
      for k in range(NBUF):
        gather(k, k)
      if phase == 0:
        pltpu.sync_copy(zeros2d.at[pl.ds(s * RPT, RPT)],
                        agg_sh.at[pl.ds(s * RPT, RPT)])
        plsc.subcore_barrier()

      def body2(i, carry):
        j = i * NBUF
        for k in range(NBUF):
          pltpu.make_async_copy(table.at[col_v.at[j + k]], gbufs[k], sems[k]).wait()
          scatter(j + k, k)
          gather(j + NBUF + k, k)
        return carry

      lax.fori_loop(0, CPT2 // NBUF - 1, body2, 0)
      jlast = CPT2 - NBUF
      for k in range(NBUF):
        pltpu.make_async_copy(table.at[col_v.at[jlast + k]], gbufs[k], sems[k]).wait()
        scatter(jlast + k, k)

    plsc.subcore_barrier()
    pltpu.sync_copy(agg_sh.at[pl.ds(s * RPT, RPT)],
                    out.at[half].at[pl.ds(s * RPT, RPT)])

  @pl.when(c == 0)
  def _():
    run(xs0, 0)

  @pl.when(c == 1)
  def _():
    run(xs1, 1)


_agg_kernel = functools.partial(
    pl.kernel,
    out_type=jax.ShapeDtypeStruct((2, N_PAD, H), jnp.float32),
    mesh=plsc.VectorSubcoreMesh(core_axis_name="c", subcore_axis_name="s"),
    scratch_types=[
        pltpu.VMEM((CPT2, 128), jnp.int32),
        pltpu.VMEM((CPT2, 128), jnp.int32),
        pltpu.VMEM((128, H), jnp.float32),
        pltpu.VMEM((128, H), jnp.float32),
        pltpu.SemaphoreType.DMA,
        pltpu.SemaphoreType.DMA,
        pltpu.VMEM_SHARED((N_PAD, H), jnp.float32),
    ],
)(_agg_body)


def _scale_body(d0_ref, d1_ref, x_ref, xs0_ref, xs1_ref):
  deg = d0_ref[...] + d1_ref[...] + 1.0
  dinv = lax.rsqrt(deg)
  xs = x_ref[...] * dinv
  xs0_ref[...] = xs[:, :H]
  xs1_ref[...] = xs[:, H:]


def _scale(d0, d1, x):
  grid = (N_PAD // BN,)
  return pl.pallas_call(
      _scale_body,
      grid=grid,
      in_specs=[
          pl.BlockSpec((BN, 1), lambda i: (i, 0)),
          pl.BlockSpec((BN, 1), lambda i: (i, 0)),
          pl.BlockSpec((BN, D), lambda i: (i, 0)),
      ],
      out_specs=[
          pl.BlockSpec((BN, H), lambda i: (i, 0)),
          pl.BlockSpec((BN, H), lambda i: (i, 0)),
      ],
      out_shape=[
          jax.ShapeDtypeStruct((N_PAD, H), jnp.float32),
          jax.ShapeDtypeStruct((N_PAD, H), jnp.float32),
      ],
  )(d0, d1, x)


def _out_body(d0_ref, d1_ref, x_ref, sr0_ref, sr1_ref, wt_ref, b_ref, o_ref):
  deg = d0_ref[...] + d1_ref[...] + 1.0
  dinv = lax.rsqrt(deg)
  sr = jnp.concatenate([sr0_ref[...], sr1_ref[...]], axis=1)
  scaled = (sr + dinv * x_ref[...]) * dinv
  o_ref[...] = lax.dot_general(
      scaled, wt_ref[...], (((1,), (1,)), ((), ())),
      preferred_element_type=jnp.float32,
  ) + b_ref[...]


def _final(d0, d1, x, sr0, sr1, wt, b2):
  grid = (N_PAD // BN,)
  return pl.pallas_call(
      _out_body,
      grid=grid,
      in_specs=[
          pl.BlockSpec((BN, 1), lambda i: (i, 0)),
          pl.BlockSpec((BN, 1), lambda i: (i, 0)),
          pl.BlockSpec((BN, D), lambda i: (i, 0)),
          pl.BlockSpec((BN, H), lambda i: (i, 0)),
          pl.BlockSpec((BN, H), lambda i: (i, 0)),
          pl.BlockSpec((D, D), lambda i: (0, 0)),
          pl.BlockSpec((1, D), lambda i: (0, 0)),
      ],
      out_specs=pl.BlockSpec((BN, D), lambda i: (i, 0)),
      out_shape=jax.ShapeDtypeStruct((N, D), jnp.float32),
  )(d0, d1, x, sr0, sr1, wt, b2)


@jax.jit
def kernel(x, edge_index, W, b):
  ei = edge_index.astype(jnp.int32)
  pad = N + jnp.arange(E_PAD - E, dtype=jnp.int32) % (N_PAD - N)
  rowb = jnp.concatenate([ei[0], pad]).reshape(E_CHUNKS, 128)
  colb = jnp.concatenate([ei[1], pad]).reshape(E_CHUNKS, 128)
  zeros2d = jnp.zeros((N_PAD, H), jnp.float32)

  deg0, deg1 = _deg_kernel(colb)
  d0 = deg0.reshape(N_PAD, 1)
  d1 = deg1.reshape(N_PAD, 1)
  xs0, xs1 = _scale(d0, d1, x)
  sr = _agg_kernel(xs0, xs1, colb, rowb, zeros2d)
  out = _final(d0, d1, x, sr[0], sr[1], W, b.reshape(1, D))
  return out

# --- scband reference (transcript-rebuilt; emitter-appended) ---
"""Pipeline reference for scband-build-gcn-3075196584644 (READ-ONLY COPY).

The authoritative reference and input builder live on the scoring server;
editing this copy changes nothing except your own understanding.
"""

import jax, jax.numpy as jnp
import numpy as np

N_NODES = 10000
N_EDGES = 160000
D_IN = 256
D_OUT = 256


def setup_inputs(seed: int = 0) -> dict:
    key = jax.random.key(seed)
    k_x, k_e, k_w, k_b = jax.random.split(key, 4)
    x = jax.random.normal(k_x, (N_NODES, D_IN), dtype=jnp.float32)
    edge_index = jax.random.randint(k_e, (2, N_EDGES), 0, N_NODES, dtype=jnp.int64)
    # Linear(in_channels, out_channels): weight [out, in], bias [out]
    bound = 1.0 / np.sqrt(D_IN)
    W = jax.random.uniform(k_w, (D_OUT, D_IN), dtype=jnp.float32, minval=-bound, maxval=bound)
    b = jax.random.uniform(k_b, (D_OUT,), dtype=jnp.float32, minval=-bound, maxval=bound)
    return {"x": x, "edge_index": edge_index, "W": W, "b": b}


def reference(x, edge_index, W, b):
    N = x.shape[0]
    # add_self_loops
    loops = jnp.arange(N, dtype=edge_index.dtype)
    row = jnp.concatenate([edge_index[0], loops])
    col = jnp.concatenate([edge_index[1], loops])
    # degree over edge_index_with_self_loops[1] (col)
    deg = jnp.zeros((N,), dtype=x.dtype).at[col].add(jnp.ones_like(col, dtype=x.dtype))
    deg_inv_sqrt = jnp.power(deg, -0.5)
    deg_inv_sqrt = jnp.where(jnp.isinf(deg_inv_sqrt), 0.0, deg_inv_sqrt)
    # step1 = D^{-1/2} @ A_hat @ D^{-1/2};  (step1 @ x)[i] = d_i * sum_{(i,j) in E} d_j * x_j
    # Implemented as edge-wise gather + scatter-add (identical math to the dense matmul).
    coeff = deg_inv_sqrt[row] * deg_inv_sqrt[col]
    msg = coeff[:, None] * jnp.take(x, col, axis=0)
    agg = jnp.zeros_like(x).at[row].add(msg)
    # self.lin
    out = agg @ W.T + b
    return out

if __name__ == "__main__":
    import jax
    _d = setup_inputs()
    print(jax.jit(kernel)(*tuple(_d.values())))

</pallas_src>

<mosaic_0001>
#map = affine_map<(d0, d1) -> (0, 0)>
#map1 = affine_map<(d0, d1) -> (0)>
module attributes {stable_mosaic.version = 14 : i64} {
  func.func @_deg_body(%arg0: i32, %arg1: i32, %arg2: memref<1280x128xi32, #tpu.memory_space<hbm>>, %arg3: memref<10240xf32, #tpu.memory_space<hbm>>, %arg4: memref<10240xf32, #tpu.memory_space<hbm>>, %arg5: memref<40x128xi32, #tpu.memory_space<vmem>>, %arg6: memref<128xf32, #tpu.memory_space<vmem>>, %arg7: memref<640xf32, #tpu.memory_space<vmem>>, %arg8: memref<10240xf32, #tpu.memory_space<vmem_shared>>) attributes {dimension_semantics = [#tpu.dimension_semantics<core_parallel>, #tpu.dimension_semantics<subcore_parallel>], iteration_bounds = array<i64: 2, 16>, scalar_prefetch = 0 : i64, scratch_operands = 4 : i64, tpu.core_type = #tpu.core_type<sc_vector_subcore>, window_params = [{transform_indices = #map}, {transform_indices = #map1}, {transform_indices = #map1}]} {
    %broadcast_in_dim3A = arith.constant 1.000000e+00 : f32
    %broadcast_in_dim3A_0 = vector.broadcast %broadcast_in_dim3A : f32 to vector<16xf32>
    %swap3A = arith.constant 0 : index
    %swap3A_1 = tpu.vector_load %arg6[%swap3A] {strides = array<i32>} : memref<128xf32, #tpu.memory_space<vmem>>, vector<16xf32>,
    %swap3A_2 = vector.shape_cast %swap3A_1 : vector<16xf32> to vector<16xf32>
    %swap3A_3 = vector.shape_cast %broadcast_in_dim3A_0 : vector<16xf32> to vector<16xf32>
    tpu.vector_store %arg6[%swap3A], %swap3A_3 {strides = array<i32>} : memref<128xf32, #tpu.memory_space<vmem>>, vector<16xf32>,
    %broadcast_in_dim3A_4 = arith.constant 1.000000e+00 : f32
    %broadcast_in_dim3A_5 = vector.broadcast %broadcast_in_dim3A_4 : f32 to vector<16xf32>
    %swap3A_6 = arith.constant 16 : index
    %swap3A_7 = tpu.vector_load %arg6[%swap3A_6] {strides = array<i32>} : memref<128xf32, #tpu.memory_space<vmem>>, vector<16xf32>,
    %swap3A_8 = vector.shape_cast %swap3A_7 : vector<16xf32> to vector<16xf32>
    %swap3A_9 = vector.shape_cast %broadcast_in_dim3A_5 : vector<16xf32> to vector<16xf32>
    tpu.vector_store %arg6[%swap3A_6], %swap3A_9 {strides = array<i32>} : memref<128xf32, #tpu.memory_space<vmem>>, vector<16xf32>,
    %broadcast_in_dim3A_10 = arith.constant 1.000000e+00 : f32
    %broadcast_in_dim3A_11 = vector.broadcast %broadcast_in_dim3A_10 : f32 to vector<16xf32>
    %swap3A_12 = arith.constant 32 : index
    %swap3A_13 = tpu.vector_load %arg6[%swap3A_12] {strides = array<i32>} : memref<128xf32, #tpu.memory_space<vmem>>, vector<16xf32>,
    %swap3A_14 = vector.shape_cast %swap3A_13 : vector<16xf32> to vector<16xf32>
    %swap3A_15 = vector.shape_cast %broadcast_in_dim3A_11 : vector<16xf32> to vector<16xf32>
    tpu.vector_store %arg6[%swap3A_12], %swap3A_15 {strides = array<i32>} : memref<128xf32, #tpu.memory_space<vmem>>, vector<16xf32>,
    %broadcast_in_dim3A_16 = arith.constant 1.000000e+00 : f32
    %broadcast_in_dim3A_17 = vector.broadcast %broadcast_in_dim3A_16 : f32 to vector<16xf32>
    %swap3A_18 = arith.constant 48 : index
    %swap3A_19 = tpu.vector_load %arg6[%swap3A_18] {strides = array<i32>} : memref<128xf32, #tpu.memory_space<vmem>>, vector<16xf32>,
    %swap3A_20 = vector.shape_cast %swap3A_19 : vector<16xf32> to vector<16xf32>
    %swap3A_21 = vector.shape_cast %broadcast_in_dim3A_17 : vector<16xf32> to vector<16xf32>
    tpu.vector_store %arg6[%swap3A_18], %swap3A_21 {strides = array<i32>} : memref<128xf32, #tpu.memory_space<vmem>>, vector<16xf32>,
    %broadcast_in_dim3A_22 = arith.constant 1.000000e+00 : f32
    %broadcast_in_dim3A_23 = vector.broadcast %broadcast_in_dim3A_22 : f32 to vector<16xf32>
    %swap3A_24 = arith.constant 64 : index
    %swap3A_25 = tpu.vector_load %arg6[%swap3A_24] {strides = array<i32>} : memref<128xf32, #tpu.memory_space<vmem>>, vector<16xf32>,
    %swap3A_26 = vector.shape_cast %swap3A_25 : vector<16xf32> to vector<16xf32>
    %swap3A_27 = vector.shape_cast %broadcast_in_dim3A_23 : vector<16xf32> to vector<16xf32>
    tpu.vector_store %arg6[%swap3A_24], %swap3A_27 {strides = array<i32>} : memref<128xf32, #tpu.memory_space<vmem>>, vector<16xf32>,
    %broadcast_in_dim3A_28 = arith.constant 1.000000e+00 : f32
    %broadcast_in_dim3A_29 = vector.broadcast %broadcast_in_dim3A_28 : f32 to vector<16xf32>
    %swap3A_30 = arith.constant 80 : index
    %swap3A_31 = tpu.vector_load %arg6[%swap3A_30] {strides = array<i32>} : memref<128xf32, #tpu.memory_space<vmem>>, vector<16xf32>,
    %swap3A_32 = vector.shape_cast %swap3A_31 : vector<16xf32> to vector<16xf32>
    %swap3A_33 = vector.shape_cast %broadcast_in_dim3A_29 : vector<16xf32> to vector<16xf32>
    tpu.vector_store %arg6[%swap3A_30], %swap3A_33 {strides = array<i32>} : memref<128xf32, #tpu.memory_space<vmem>>, vector<16xf32>,
    %broadcast_in_dim3A_34 = arith.constant 1.000000e+00 : f32
    %broadcast_in_dim3A_35 = vector.broadcast %broadcast_in_dim3A_34 : f32 to vector<16xf32>
    %swap3A_36 = arith.constant 96 : index
    %swap3A_37 = tpu.vector_load %arg6[%swap3A_36] {strides = array<i32>} : memref<128xf32, #tpu.memory_space<vmem>>, vector<16xf32>,
    %swap3A_38 = vector.shape_cast %swap3A_37 : vector<16xf32> to vector<16xf32>
    %swap3A_39 = vector.shape_cast %broadcast_in_dim3A_35 : vector<16xf32> to vector<16xf32>
    tpu.vector_store %arg6[%swap3A_36], %swap3A_39 {strides = array<i32>} : memref<128xf32, #tpu.memory_space<vmem>>, vector<16xf32>,
    %broadcast_in_dim3A_40 = arith.constant 1.000000e+00 : f32
    %broadcast_in_dim3A_41 = vector.broadcast %broadcast_in_dim3A_40 : f32 to vector<16xf32>
    %swap3A_42 = arith.constant 112 : index
    %swap3A_43 = tpu.vector_load %arg6[%swap3A_42] {strides = array<i32>} : memref<128xf32, #tpu.memory_space<vmem>>, vector<16xf32>,
    %swap3A_44 = vector.shape_cast %swap3A_43 : vector<16xf32> to vector<16xf32>
    %swap3A_45 = vector.shape_cast %broadcast_in_dim3A_41 : vector<16xf32> to vector<16xf32>
    tpu.vector_store %arg6[%swap3A_42], %swap3A_45 {strides = array<i32>} : memref<128xf32, #tpu.memory_space<vmem>>, vector<16xf32>,
    %broadcast_in_dim3A_46 = arith.constant 0.000000e+00 : f32
    %broadcast_in_dim3A_47 = vector.broadcast %broadcast_in_dim3A_46 : f32 to vector<16xf32>
    %swap3A_48 = arith.constant 0 : index
    %swap3A_49 = tpu.vector_load %arg7[%swap3A_48] {strides = array<i32>} : memref<640xf32, #tpu.memory_space<vmem>>, vector<16xf32>,
    %swap3A_50 = vector.shape_cast %swap3A_49 : vector<16xf32> to vector<16xf32>
    %swap3A_51 = vector.shape_cast %broadcast_in_dim3A_47 : vector<16xf32> to vector<16xf32>
    tpu.vector_store %arg7[%swap3A_48], %swap3A_51 {strides = array<i32>} : memref<640xf32, #tpu.memory_space<vmem>>, vector<16xf32>,
    %broadcast_in_dim3A_52 = arith.constant 0.000000e+00 : f32
    %broadcast_in_dim3A_53 = vector.broadcast %broadcast_in_dim3A_52 : f32 to vector<16xf32>
    %swap3A_54 = arith.constant 16 : index
    %swap3A_55 = tpu.vector_load %arg7[%swap3A_54] {strides = array<i32>} : memref<640xf32, #tpu.memory_space<vmem>>, vector<16xf32>,
    %swap3A_56 = vector.shape_cast %swap3A_55 : vector<16xf32> to vector<16xf32>
    %swap3A_57 = vector.shape_cast %broadcast_in_dim3A_53 : vector<16xf32> to vector<16xf32>
    tpu.vector_store %arg7[%swap3A_54], %swap3A_57 {strides = array<i32>} : memref<640xf32, #tpu.memory_space<vmem>>, vector<16xf32>,
    %broadcast_in_dim3A_58 = arith.constant 0.000000e+00 : f32
    %broadcast_in_dim3A_59 = vector.broadcast %broadcast_in_dim3A_58 : f32 to vector<16xf32>
    %swap3A_60 = arith.constant 32 : index
    %swap3A_61 = tpu.vector_load %arg7[%swap3A_60] {strides = array<i32>} : memref<640xf32, #tpu.memory_space<vmem>>, vector<16xf32>,
    %swap3A_62 = vector.shape_cast %swap3A_61 : vector<16xf32> to vector<16xf32>
    %swap3A_63 = vector.shape_cast %broadcast_in_dim3A_59 : vector<16xf32> to vector<16xf32>
    tpu.vector_store %arg7[%swap3A_60], %swap3A_63 {strides = array<i32>} : memref<640xf32, #tpu.memory_space<vmem>>, vector<16xf32>,
    %broadcast_in_dim3A_64 = arith.constant 0.000000e+00 : f32
    %broadcast_in_dim3A_65 = vector.broadcast %broadcast_in_dim3A_64 : f32 to vector<16xf32>
    %swap3A_66 = arith.constant 48 : index
    %swap3A_67 = tpu.vector_load %arg7[%swap3A_66] {strides = array<i32>} : memref<640xf32, #tpu.memory_space<vmem>>, vector<16xf32>,
    %swap3A_68 = vector.shape_cast %swap3A_67 : vector<16xf32> to vector<16xf32>
    %swap3A_69 = vector.shape_cast %broadcast_in_dim3A_65 : vector<16xf32> to vector<16xf32>
    tpu.vector_store %arg7[%swap3A_66], %swap3A_69 {strides = array<i32>} : memref<640xf32, #tpu.memory_space<vmem>>, vector<16xf32>,
    %broadcast_in_dim3A_70 = arith.constant 0.000000e+00 : f32
    %broadcast_in_dim3A_71 = vector.broadcast %broadcast_in_dim3A_70 : f32 to vector<16xf32>
    %swap3A_72 = arith.constant 64 : index
    %swap3A_73 = tpu.vector_load %arg7[%swap3A_72] {strides = array<i32>} : memref<640xf32, #tpu.memory_space<vmem>>, vector<16xf32>,
    %swap3A_74 = vector.shape_cast %swap3A_73 : vector<16xf32> to vector<16xf32>
    %swap3A_75 = vector.shape_cast %broadcast_in_dim3A_71 : vector<16xf32> to vector<16xf32>
    tpu.vector_store %arg7[%swap3A_72], %swap3A_75 {strides = array<i32>} : memref<640xf32, #tpu.memory_space<vmem>>, vector<16xf32>,
    %broadcast_in_dim3A_76 = arith.constant 0.000000e+00 : f32
    %broadcast_in_dim3A_77 = vector.broadcast %broadcast_in_dim3A_76 : f32 to vector<16xf32>
    %swap3A_78 = arith.constant 80 : index
    %swap3A_79 = tpu.vector_load %arg7[%swap3A_78] {strides = array<i32>} : memref<640xf32, #tpu.memory_space<vmem>>, vector<16xf32>,
    %swap3A_80 = vector.shape_cast %swap3A_79 : vector<16xf32> to vector<16xf32>
    %swap3A_81 = vector.shape_cast %broadcast_in_dim3A_77 : vector<16xf32> to vector<16xf32>
    tpu.vector_store %arg7[%swap3A_78], %swap3A_81 {strides = array<i32>} : memref<640xf32, #tpu.memory_space<vmem>>, vector<16xf32>,
    %broadcast_in_dim3A_82 = arith.constant 0.000000e+00 : f32
    %broadcast_in_dim3A_83 = vector.broadcast %broadcast_in_dim3A_82 : f32 to vector<16xf32>
    %swap3A_84 = arith.constant 96 : index
    %swap3A_85 = tpu.vector_load %arg7[%swap3A_84] {strides = array<i32>} : memref<640xf32, #tpu.memory_space<vmem>>, vector<16xf32>,
    %swap3A_86 = vector.shape_cast %swap3A_85 : vector<16xf32> to vector<16xf32>
    %swap3A_87 = vector.shape_cast %broadcast_in_dim3A_83 : vector<16xf32> to vector<16xf32>
    tpu.vector_store %arg7[%swap3A_84], %swap3A_87 {strides = array<i32>} : memref<640xf32, #tpu.memory_space<vmem>>, vector<16xf32>,
    %broadcast_in_dim3A_88 = arith.constant 0.000000e+00 : f32
    %broadcast_in_dim3A_89 = vector.broadcast %broadcast_in_dim3A_88 : f32 to vector<16xf32>
    %swap3A_90 = arith.constant 112 : index
    %swap3A_91 = tpu.vector_load %arg7[%swap3A_90] {strides = array<i32>} : memref<640xf32, #tpu.memory_space<vmem>>, vector<16xf32>,
    %swap3A_92 = vector.shape_cast %swap3A_91 : vector<16xf32> to vector<16xf32>
    %swap3A_93 = vector.shape_cast %broadcast_in_dim3A_89 : vector<16xf32> to vector<16xf32>
    tpu.vector_store %arg7[%swap3A_90], %swap3A_93 {strides = array<i32>} : memref<640xf32, #tpu.memory_space<vmem>>, vector<16xf32>,
    %broadcast_in_dim3A_94 = arith.constant 0.000000e+00 : f32
    %broadcast_in_dim3A_95 = vector.broadcast %broadcast_in_dim3A_94 : f32 to vector<16xf32>
    %swap3A_96 = arith.constant 128 : index
    %swap3A_97 = tpu.vector_load %arg7[%swap3A_96] {strides = array<i32>} : memref<640xf32, #tpu.memory_space<vmem>>, vector<16xf32>,
    %swap3A_98 = vector.shape_cast %swap3A_97 : vector<16xf32> to vector<16xf32>
    %swap3A_99 = vector.shape_cast %broadcast_in_dim3A_95 : vector<16xf32> to vector<16xf32>
    tpu.vector_store %arg7[%swap3A_96], %swap3A_99 {strides = array<i32>} : memref<640xf32, #tpu.memory_space<vmem>>, vector<16xf32>,
    %broadcast_in_dim3A_100 = arith.constant 0.000000e+00 : f32
    %broadcast_in_dim3A_101 = vector.broadcast %broadcast_in_dim3A_100 : f32 to vector<16xf32>
    %swap3A_102 = arith.constant 144 : index
    %swap3A_103 = tpu.vector_load %arg7[%swap3A_102] {strides = array<i32>} : memref<640xf32, #tpu.memory_space<vmem>>, vector<16xf32>,
    %swap3A_104 = vector.shape_cast %swap3A_103 : vector<16xf32> to vector<16xf32>
    %swap3A_105 = vector.shape_cast %broadcast_in_dim3A_101 : vector<16xf32> to vector<16xf32>
    tpu.vector_store %arg7[%swap3A_102], %swap3A_105 {strides = array<i32>} : memref<640xf32, #tpu.memory_space<vmem>>, vector<16xf32>,
    %broadcast_in_dim3A_106 = arith.constant 0.000000e+00 : f32
    %broadcast_in_dim3A_107 = vector.broadcast %broadcast_in_dim3A_106 : f32 to vector<16xf32>
    %swap3A_108 = arith.constant 160 : index
    %swap3A_109 = tpu.vector_load %arg7[%swap3A_108] {strides = array<i32>} : memref<640xf32, #tpu.memory_space<vmem>>, vector<16xf32>,
    %swap3A_110 = vector.shape_cast %swap3A_109 : vector<16xf32> to vector<16xf32>
    %swap3A_111 = vector.shape_cast %broadcast_in_dim3A_107 : vector<16xf32> to vector<16xf32>
    tpu.vector_store %arg7[%swap3A_108], %swap3A_111 {strides = array<i32>} : memref<640xf32, #tpu.memory_space<vmem>>, vector<16xf32>,
    %broadcast_in_dim3A_112 = arith.constant 0.000000e+00 : f32
    %broadcast_in_dim3A_113 = vector.broadcast %broadcast_in_dim3A_112 : f32 to vector<16xf32>
    %swap3A_114 = arith.constant 176 : index
    %swap3A_115 = tpu.vector_load %arg7[%swap3A_114] {strides = array<i32>} : memref<640xf32, #tpu.memory_space<vmem>>, vector<16xf32>,
    %swap3A_116 = vector.shape_cast %swap3A_115 : vector<16xf32> to vector<16xf32>
    %swap3A_117 = vector.shape_cast %broadcast_in_dim3A_113 : vector<16xf32> to vector<16xf32>
    tpu.vector_store %arg7[%swap3A_114], %swap3A_117 {strides = array<i32>} : memref<640xf32, #tpu.memory_space<vmem>>, vector<16xf32>,
    %broadcast_in_dim3A_118 = arith.constant 0.000000e+00 : f32
    %broadcast_in_dim3A_119 = vector.broadcast %broadcast_in_dim3A_118 : f32 to vector<16xf32>
    %swap3A_120 = arith.constant 192 : index
    %swap3A_121 = tpu.vector_load %arg7[%swap3A_120] {strides = array<i32>} : memref<640xf32, #tpu.memory_space<vmem>>, vector<16xf32>,
    %swap3A_122 = vector.shape_cast %swap3A_121 : vector<16xf32> to vector<16xf32>
    %swap3A_123 = vector.shape_cast %broadcast_in_dim3A_119 : vector<16xf32> to vector<16xf32>
    tpu.vector_store %arg7[%swap3A_120], %swap3A_123 {strides = array<i32>} : memref<640xf32, #tpu.memory_space<vmem>>, vector<16xf32>,
    %broadcast_in_dim3A_124 = arith.constant 0.000000e+00 : f32
    %broadcast_in_dim3A_125 = vector.broadcast %broadcast_in_dim3A_124 : f32 to vector<16xf32>
    %swap3A_126 = arith.constant 208 : index
    %swap3A_127 = tpu.vector_load %arg7[%swap3A_126] {strides = array<i32>} : memref<640xf32, #tpu.memory_space<vmem>>, vector<16xf32>,
    %swap3A_128 = vector.shape_cast %swap3A_127 : vector<16xf32> to vector<16xf32>
    %swap3A_129 = vector.shape_cast %broadcast_in_dim3A_125 : vector<16xf32> to vector<16xf32>
    tpu.vector_store %arg7[%swap3A_126], %swap3A_129 {strides = array<i32>} : memref<640xf32, #tpu.memory_space<vmem>>, vector<16xf32>,
    %broadcast_in_dim3A_130 = arith.constant 0.000000e+00 : f32
    %broadcast_in_dim3A_131 = vector.broadcast %broadcast_in_dim3A_130 : f32 to vector<16xf32>
    %swap3A_132 = arith.constant 224 : index
    %swap3A_133 = tpu.vector_load %arg7[%swap3A_132] {strides = array<i32>} : memref<640xf32, #tpu.memory_space<vmem>>, vector<16xf32>,
    %swap3A_134 = vector.shape_cast %swap3A_133 : vector<16xf32> to vector<16xf32>
    %swap3A_135 = vector.shape_cast %broadcast_in_dim3A_131 : vector<16xf32> to vector<16xf32>
    tpu.vector_store %arg7[%swap3A_132], %swap3A_135 {strides = array<i32>} : memref<640xf32, #tpu.memory_space<vmem>>, vector<16xf32>,
    %broadcast_in_dim3A_136 = arith.constant 0.000000e+00 : f32
    %broadcast_in_dim3A_137 = vector.broadcast %broadcast_in_dim3A_136 : f32 to vector<16xf32>
    %swap3A_138 = arith.constant 240 : index
    %swap3A_139 = tpu.vector_load %arg7[%swap3A_138] {strides = array<i32>} : memref<640xf32, #tpu.memory_space<vmem>>, vector<16xf32>,
    %swap3A_140 = vector.shape_cast %swap3A_139 : vector<16xf32> to vector<16xf32>
    %swap3A_141 = vector.shape_cast %broadcast_in_dim3A_137 : vector<16xf32> to vector<16xf32>
    tpu.vector_store %arg7[%swap3A_138], %swap3A_141 {strides = array<i32>} : memref<640xf32, #tpu.memory_space<vmem>>, vector<16xf32>,
    %broadcast_in_dim3A_142 = arith.constant 0.000000e+00 : f32
    %broadcast_in_dim3A_143 = vector.broadcast %broadcast_in_dim3A_142 : f32 to vector<16xf32>
    %swap3A_144 = arith.constant 256 : index
    %swap3A_145 = tpu.vector_load %arg7[%swap3A_144] {strides = array<i32>} : memref<640xf32, #tpu.memory_space<vmem>>, vector<16xf32>,
    %swap3A_146 = vector.shape_cast %swap3A_145 : vector<16xf32> to vector<16xf32>
    %swap3A_147 = vector.shape_cast %broadcast_in_dim3A_143 : vector<16xf32> to vector<16xf32>
    tpu.vector_store %arg7[%swap3A_144], %swap3A_147 {strides = array<i32>} : memref<640xf32, #tpu.memory_space<vmem>>, vector<16xf32>,
    %broadcast_in_dim3A_148 = arith.constant 0.000000e+00 : f32
    %broadcast_in_dim3A_149 = vector.broadcast %broadcast_in_dim3A_148 : f32 to vector<16xf32>
    %swap3A_150 = arith.constant 272 : index
    %swap3A_151 = tpu.vector_load %arg7[%swap3A_150] {strides = array<i32>} : memref<640xf32, #tpu.memory_space<vmem>>, vector<16xf32>,
    %swap3A_152 = vector.shape_cast %swap3A_151 : vector<16xf32> to vector<16xf32>
    %swap3A_153 = vector.shape_cast %broadcast_in_dim3A_149 : vector<16xf32> to vector<16xf32>
    tpu.vector_store %arg7[%swap3A_150], %swap3A_153 {strides = array<i32>} : memref<640xf32, #tpu.memory_space<vmem>>, vector<16xf32>,
    %broadcast_in_dim3A_154 = arith.constant 0.000000e+00 : f32
    %broadcast_in_dim3A_155 = vector.broadcast %broadcast_in_dim3A_154 : f32 to vector<16xf32>
    %swap3A_156 = arith.constant 288 : index
    %swap3A_157 = tpu.vector_load %arg7[%swap3A_156] {strides = array<i32>} : memref<640xf32, #tpu.memory_space<vmem>>, vector<16xf32>,
    %swap3A_158 = vector.shape_cast %swap3A_157 : vector<16xf32> to vector<16xf32>
    %swap3A_159 = vector.shape_cast %broadcast_in_dim3A_155 : vector<16xf32> to vector<16xf32>
    tpu.vector_store %arg7[%swap3A_156], %swap3A_159 {strides = array<i32>} : memref<640xf32, #tpu.memory_space<vmem>>, vector<16xf32>,
    %broadcast_in_dim3A_160 = arith.constant 0.000000e+00 : f32
    %broadcast_in_dim3A_161 = vector.broadcast %broadcast_in_dim3A_160 : f32 to vector<16xf32>
    %swap3A_162 = arith.constant 304 : index
    %swap3A_163 = tpu.vector_load %arg7[%swap3A_162] {strides = array<i32>} : memref<640xf32, #tpu.memory_space<vmem>>, vector<16xf32>,
    %swap3A_164 = vector.shape_cast %swap3A_163 : vector<16xf32> to vector<16xf32>
    %swap3A_165 = vector.shape_cast %broadcast_in_dim3A_161 : vector<16xf32> to vector<16xf32>
    tpu.vector_store %arg7[%swap3A_162], %swap3A_165 {strides = array<i32>} : memref<640xf32, #tpu.memory_space<vmem>>, vector<16xf32>,
    %broadcast_in_dim3A_166 = arith.constant 0.000000e+00 : f32
    %broadcast_in_dim3A_167 = vector.broadcast %broadcast_in_dim3A_166 : f32 to vector<16xf32>
    %swap3A_168 = arith.constant 320 : index
    %swap3A_169 = tpu.vector_load %arg7[%swap3A_168] {strides = array<i32>} : memref<640xf32, #tpu.memory_space<vmem>>, vector<16xf32>,
    %swap3A_170 = vector.shape_cast %swap3A_169 : vector<16xf32> to vector<16xf32>
    %swap3A_171 = vector.shape_cast %broadcast_in_dim3A_167 : vector<16xf32> to vector<16xf32>
    tpu.vector_store %arg7[%swap3A_168], %swap3A_171 {strides = array<i32>} : memref<640xf32, #tpu.memory_space<vmem>>, vector<16xf32>,
    %broadcast_in_dim3A_172 = arith.constant 0.000000e+00 : f32
    %broadcast_in_dim3A_173 = vector.broadcast %broadcast_in_dim3A_172 : f32 to vector<16xf32>
    %swap3A_174 = arith.constant 336 : index
    %swap3A_175 = tpu.vector_load %arg7[%swap3A_174] {strides = array<i32>} : memref<640xf32, #tpu.memory_space<vmem>>, vector<16xf32>,
    %swap3A_176 = vector.shape_cast %swap3A_175 : vector<16xf32> to vector<16xf32>
    %swap3A_177 = vector.shape_cast %broadcast_in_dim3A_173 : vector<16xf32> to vector<16xf32>
    tpu.vector_store %arg7[%swap3A_174], %swap3A_177 {strides = array<i32>} : memref<640xf32, #tpu.memory_space<vmem>>, vector<16xf32>,
    %broadcast_in_dim3A_178 = arith.constant 0.000000e+00 : f32
    %broadcast_in_dim3A_179 = vector.broadcast %broadcast_in_dim3A_178 : f32 to vector<16xf32>
    %swap3A_180 = arith.constant 352 : index
    %swap3A_181 = tpu.vector_load %arg7[%swap3A_180] {strides = array<i32>} : memref<640xf32, #tpu.memory_space<vmem>>, vector<16xf32>,
    %swap3A_182 = vector.shape_cast %swap3A_181 : vector<16xf32> to vector<16xf32>
    %swap3A_183 = vector.shape_cast %broadcast_in_dim3A_179 : vector<16xf32> to vector<16xf32>
    tpu.vector_store %arg7[%swap3A_180], %swap3A_183 {strides = array<i32>} : memref<640xf32, #tpu.memory_space<vmem>>, vector<16xf32>,
    %broadcast_in_dim3A_184 = arith.constant 0.000000e+00 : f32
    %broadcast_in_dim3A_185 = vector.broadcast %broadcast_in_dim3A_184 : f32 to vector<16xf32>
    %swap3A_186 = arith.constant 368 : index
    %swap3A_187 = tpu.vector_load %arg7[%swap3A_186] {strides = array<i32>} : memref<640xf32, #tpu.memory_space<vmem>>, vector<16xf32>,
    %swap3A_188 = vector.shape_cast %swap3A_187 : vector<16xf32> to vector<16xf32>
    %swap3A_189 = vector.shape_cast %broadcast_in_dim3A_185 : vector<16xf32> to vector<16xf32>
    tpu.vector_store %arg7[%swap3A_186], %swap3A_189 {strides = array<i32>} : memref<640xf32, #tpu.memory_space<vmem>>, vector<16xf32>,
    %broadcast_in_dim3A_190 = arith.constant 0.000000e+00 : f32
    %broadcast_in_dim3A_191 = vector.broadcast %broadcast_in_dim3A_190 : f32 to vector<16xf32>
    %swap3A_192 = arith.constant 384 : index
    %swap3A_193 = tpu.vector_load %arg7[%swap3A_192] {strides = array<i32>} : memref<640xf32, #tpu.memory_space<vmem>>, vector<16xf32>,
    %swap3A_194 = vector.shape_cast %swap3A_193 : vector<16xf32> to vector<16xf32>
    %swap3A_195 = vector.shape_cast %broadcast_in_dim3A_191 : vector<16xf32> to vector<16xf32>
    tpu.vector_store %arg7[%swap3A_192], %swap3A_195 {strides = array<i32>} : memref<640xf32, #tpu.memory_space<vmem>>, vector<16xf32>,
    %broadcast_in_dim3A_196 = arith.constant 0.000000e+00 : f32
    %broadcast_in_dim3A_197 = vector.broadcast %broadcast_in_dim3A_196 : f32 to vector<16xf32>
    %swap3A_198 = arith.constant 400 : index
    %swap3A_199 = tpu.vector_load %arg7[%swap3A_198] {strides = array<i32>} : memref<640xf32, #tpu.memory_space<vmem>>, vector<16xf32>,
    %swap3A_200 = vector.shape_cast %swap3A_199 : vector<16xf32> to vector<16xf32>
    %swap3A_201 = vector.shape_cast %broadcast_in_dim3A_197 : vector<16xf32> to vector<16xf32>
    tpu.vector_store %arg7[%swap3A_198], %swap3A_201 {strides = array<i32>} : memref<640xf32, #tpu.memory_space<vmem>>, vector<16xf32>,
    %broadcast_in_dim3A_202 = arith.constant 0.000000e+00 : f32
    %broadcast_in_dim3A_203 = vector.broadcast %broadcast_in_dim3A_202 : f32 to vector<16xf32>
    %swap3A_204 = arith.constant 416 : index
    %swap3A_205 = tpu.vector_load %arg7[%swap3A_204] {strides = array<i32>} : memref<640xf32, #tpu.memory_space<vmem>>, vector<16xf32>,
    %swap3A_206 = vector.shape_cast %swap3A_205 : vector<16xf32> to vector<16xf32>
    %swap3A_207 = vector.shape_cast %broadcast_in_dim3A_203 : vector<16xf32> to vector<16xf32>
    tpu.vector_store %arg7[%swap3A_204], %swap3A_207 {strides = array<i32>} : memref<640xf32, #tpu.memory_space<vmem>>, vector<16xf32>,
    %broadcast_in_dim3A_208 = arith.constant 0.000000e+00 : f32
    %broadcast_in_dim3A_209 = vector.broadcast %broadcast_in_dim3A_208 : f32 to vector<16xf32>
    %swap3A_210 = arith.constant 432 : index
    %swap3A_211 = tpu.vector_load %arg7[%swap3A_210] {strides = array<i32>} : memref<640xf32, #tpu.memory_space<vmem>>, vector<16xf32>,
    %swap3A_212 = vector.shape_cast %swap3A_211 : vector<16xf32> to vector<16xf32>
    %swap3A_213 = vector.shape_cast %broadcast_in_dim3A_209 : vector<16xf32> to vector<16xf32>
    tpu.vector_store %arg7[%swap3A_210], %swap3A_213 {strides = array<i32>} : memref<640xf32, #tpu.memory_space<vmem>>, vector<16xf32>,
    %broadcast_in_dim3A_214 = arith.constant 0.000000e+00 : f32
    %broadcast_in_dim3A_215 = vector.broadcast %broadcast_in_dim3A_214 : f32 to vector<16xf32>
    %swap3A_216 = arith.constant 448 : index
    %swap3A_217 = tpu.vector_load %arg7[%swap3A_216] {strides = array<i32>} : memref<640xf32, #tpu.memory_space<vmem>>, vector<16xf32>,
    %swap3A_218 = vector.shape_cast %swap3A_217 : vector<16xf32> to vector<16xf32>
    %swap3A_219 = vector.shape_cast %broadcast_in_dim3A_215 : vector<16xf32> to vector<16xf32>
    tpu.vector_store %arg7[%swap3A_216], %swap3A_219 {strides = array<i32>} : memref<640xf32, #tpu.memory_space<vmem>>, vector<16xf32>,
    %broadcast_in_dim3A_220 = arith.constant 0.000000e+00 : f32
    %broadcast_in_dim3A_221 = vector.broadcast %broadcast_in_dim3A_220 : f32 to vector<16xf32>
    %swap3A_222 = arith.constant 464 : index
    %swap3A_223 = tpu.vector_load %arg7[%swap3A_222] {strides = array<i32>} : memref<640xf32, #tpu.memory_space<vmem>>, vector<16xf32>,
    %swap3A_224 = vector.shape_cast %swap3A_223 : vector<16xf32> to vector<16xf32>
    %swap3A_225 = vector.shape_cast %broadcast_in_dim3A_221 : vector<16xf32> to vector<16xf32>
    tpu.vector_store %arg7[%swap3A_222], %swap3A_225 {strides = array<i32>} : memref<640xf32, #tpu.memory_space<vmem>>, vector<16xf32>,
    %broadcast_in_dim3A_226 = arith.constant 0.000000e+00 : f32
    %broadcast_in_dim3A_227 = vector.broadcast %broadcast_in_dim3A_226 : f32 to vector<16xf32>
    %swap3A_228 = arith.constant 480 : index
    %swap3A_229 = tpu.vector_load %arg7[%swap3A_228] {strides = array<i32>} : memref<640xf32, #tpu.memory_space<vmem>>, vector<16xf32>,
    %swap3A_230 = vector.shape_cast %swap3A_229 : vector<16xf32> to vector<16xf32>
    %swap3A_231 = vector.shape_cast %broadcast_in_dim3A_227 : vector<16xf32> to vector<16xf32>
    tpu.vector_store %arg7[%swap3A_228], %swap3A_231 {strides = array<i32>} : memref<640xf32, #tpu.memory_space<vmem>>, vector<16xf32>,
    %broadcast_in_dim3A_232 = arith.constant 0.000000e+00 : f32
    %broadcast_in_dim3A_233 = vector.broadcast %broadcast_in_dim3A_232 : f32 to vector<16xf32>
    %swap3A_234 = arith.constant 496 : index
    %swap3A_235 = tpu.vector_load %arg7[%swap3A_234] {strides = array<i32>} : memref<640xf32, #tpu.memory_space<vmem>>, vector<16xf32>,
    %swap3A_236 = vector.shape_cast %swap3A_235 : vector<16xf32> to vector<16xf32>
    %swap3A_237 = vector.shape_cast %broadcast_in_dim3A_233 : vector<16xf32> to vector<16xf32>
    tpu.vector_store %arg7[%swap3A_234], %swap3A_237 {strides = array<i32>} : memref<640xf32, #tpu.memory_space<vmem>>, vector<16xf32>,
    %broadcast_in_dim3A_238 = arith.constant 0.000000e+00 : f32
    %broadcast_in_dim3A_239 = vector.broadcast %broadcast_in_dim3A_238 : f32 to vector<16xf32>
    %swap3A_240 = arith.constant 512 : index
    %swap3A_241 = tpu.vector_load %arg7[%swap3A_240] {strides = array<i32>} : memref<640xf32, #tpu.memory_space<vmem>>, vector<16xf32>,
    %swap3A_242 = vector.shape_cast %swap3A_241 : vector<16xf32> to vector<16xf32>
    %swap3A_243 = vector.shape_cast %broadcast_in_dim3A_239 : vector<16xf32> to vector<16xf32>
    tpu.vector_store %arg7[%swap3A_240], %swap3A_243 {strides = array<i32>} : memref<640xf32, #tpu.memory_space<vmem>>, vector<16xf32>,
    %broadcast_in_dim3A_244 = arith.constant 0.000000e+00 : f32
    %broadcast_in_dim3A_245 = vector.broadcast %broadcast_in_dim3A_244 : f32 to vector<16xf32>
    %swap3A_246 = arith.constant 528 : index
    %swap3A_247 = tpu.vector_load %arg7[%swap3A_246] {strides = array<i32>} : memref<640xf32, #tpu.memory_space<vmem>>, vector<16xf32>,
    %swap3A_248 = vector.shape_cast %swap3A_247 : vector<16xf32> to vector<16xf32>
    %swap3A_249 = vector.shape_cast %broadcast_in_dim3A_245 : vector<16xf32> to vector<16xf32>
    tpu.vector_store %arg7[%swap3A_246], %swap3A_249 {strides = array<i32>} : memref<640xf32, #tpu.memory_space<vmem>>, vector<16xf32>,
    %broadcast_in_dim3A_250 = arith.constant 0.000000e+00 : f32
    %broadcast_in_dim3A_251 = vector.broadcast %broadcast_in_dim3A_250 : f32 to vector<16xf32>
    %swap3A_252 = arith.constant 544 : index
    %swap3A_253 = tpu.vector_load %arg7[%swap3A_252] {strides = array<i32>} : memref<640xf32, #tpu.memory_space<vmem>>, vector<16xf32>,
    %swap3A_254 = vector.shape_cast %swap3A_253 : vector<16xf32> to vector<16xf32>
    %swap3A_255 = vector.shape_cast %broadcast_in_dim3A_251 : vector<16xf32> to vector<16xf32>
    tpu.vector_store %arg7[%swap3A_252], %swap3A_255 {strides = array<i32>} : memref<640xf32, #tpu.memory_space<vmem>>, vector<16xf32>,
    %broadcast_in_dim3A_256 = arith.constant 0.000000e+00 : f32
    %broadcast_in_dim3A_257 = vector.broadcast %broadcast_in_dim3A_256 : f32 to vector<16xf32>
    %swap3A_258 = arith.constant 560 : index
    %swap3A_259 = tpu.vector_load %arg7[%swap3A_258] {strides = array<i32>} : memref<640xf32, #tpu.memory_space<vmem>>, vector<16xf32>,
    %swap3A_260 = vector.shape_cast %swap3A_259 : vector<16xf32> to vector<16xf32>
    %swap3A_261 = vector.shape_cast %broadcast_in_dim3A_257 : vector<16xf32> to vector<16xf32>
    tpu.vector_store %arg7[%swap3A_258], %swap3A_261 {strides = array<i32>} : memref<640xf32, #tpu.memory_space<vmem>>, vector<16xf32>,
    %broadcast_in_dim3A_262 = arith.constant 0.000000e+00 : f32
    %broadcast_in_dim3A_263 = vector.broadcast %broadcast_in_dim3A_262 : f32 to vector<16xf32>
    %swap3A_264 = arith.constant 576 : index
    %swap3A_265 = tpu.vector_load %arg7[%swap3A_264] {strides = array<i32>} : memref<640xf32, #tpu.memory_space<vmem>>, vector<16xf32>,
    %swap3A_266 = vector.shape_cast %swap3A_265 : vector<16xf32> to vector<16xf32>
    %swap3A_267 = vector.shape_cast %broadcast_in_dim3A_263 : vector<16xf32> to vector<16xf32>
    tpu.vector_store %arg7[%swap3A_264], %swap3A_267 {strides = array<i32>} : memref<640xf32, #tpu.memory_space<vmem>>, vector<16xf32>,
    %broadcast_in_dim3A_268 = arith.constant 0.000000e+00 : f32
    %broadcast_in_dim3A_269 = vector.broadcast %broadcast_in_dim3A_268 : f32 to vector<16xf32>
    %swap3A_270 = arith.constant 592 : index
    %swap3A_271 = tpu.vector_load %arg7[%swap3A_270] {strides = array<i32>} : memref<640xf32, #tpu.memory_space<vmem>>, vector<16xf32>,
    %swap3A_272 = vector.shape_cast %swap3A_271 : vector<16xf32> to vector<16xf32>
    %swap3A_273 = vector.shape_cast %broadcast_in_dim3A_269 : vector<16xf32> to vector<16xf32>
    tpu.vector_store %arg7[%swap3A_270], %swap3A_273 {strides = array<i32>} : memref<640xf32, #tpu.memory_space<vmem>>, vector<16xf32>,
    %broadcast_in_dim3A_274 = arith.constant 0.000000e+00 : f32
    %broadcast_in_dim3A_275 = vector.broadcast %broadcast_in_dim3A_274 : f32 to vector<16xf32>
    %swap3A_276 = arith.constant 608 : index
    %swap3A_277 = tpu.vector_load %arg7[%swap3A_276] {strides = array<i32>} : memref<640xf32, #tpu.memory_space<vmem>>, vector<16xf32>,
    %swap3A_278 = vector.shape_cast %swap3A_277 : vector<16xf32> to vector<16xf32>
    %swap3A_279 = vector.shape_cast %broadcast_in_dim3A_275 : vector<16xf32> to vector<16xf32>
    tpu.vector_store %arg7[%swap3A_276], %swap3A_279 {strides = array<i32>} : memref<640xf32, #tpu.memory_space<vmem>>, vector<16xf32>,
    %broadcast_in_dim3A_280 = arith.constant 0.000000e+00 : f32
    %broadcast_in_dim3A_281 = vector.broadcast %broadcast_in_dim3A_280 : f32 to vector<16xf32>
    %swap3A_282 = arith.constant 624 : index
    %swap3A_283 = tpu.vector_load %arg7[%swap3A_282] {strides = array<i32>} : memref<640xf32, #tpu.memory_space<vmem>>, vector<16xf32>,
    %swap3A_284 = vector.shape_cast %swap3A_283 : vector<16xf32> to vector<16xf32>
    %swap3A_285 = vector.shape_cast %broadcast_in_dim3A_281 : vector<16xf32> to vector<16xf32>
    tpu.vector_store %arg7[%swap3A_282], %swap3A_285 {strides = array<i32>} : memref<640xf32, #tpu.memory_space<vmem>>, vector<16xf32>,
    %mul3A = arith.constant 640 : i32
    %mul3A_286 = arith.muli %arg1, %mul3A : i32
    "tpu.region"() ({
      %run_scoped3A = tpu.sem_alloc : memref<!tpu.dma_semaphore, #tpu.memory_space<semaphore_mem>>
      %dma_start3A = tpu.memref_slice %arg8[%mul3A_286] : memref<10240xf32, #tpu.memory_space<vmem_shared>> -> memref<640xf32, #tpu.memory_space<vmem_shared>>
      %dma_start3A_304 = tpu.memref_slice %arg8[%mul3A_286] : memref<10240xf32, #tpu.memory_space<vmem_shared>> -> memref<640xf32, #tpu.memory_space<vmem_shared>>
      tpu.enqueue_dma source(%arg7 : memref<640xf32, #tpu.memory_space<vmem>>) target(%dma_start3A_304 : memref<640xf32, #tpu.memory_space<vmem_shared>>) target_semaphore(%run_scoped3A : memref<!tpu.dma_semaphore, #tpu.memory_space<semaphore_mem>>)
      %dma_wait3A = tpu.memref_slice %arg8[%mul3A_286] : memref<10240xf32, #tpu.memory_space<vmem_shared>> -> memref<640xf32, #tpu.memory_space<vmem_shared>>
      %dma_wait3A_305 = tpu.memref_slice %arg8[%mul3A_286] : memref<10240xf32, #tpu.memory_space<vmem_shared>> -> memref<640xf32, #tpu.memory_space<vmem_shared>>
      tpu.wait_dma2 semaphore(%run_scoped3A : memref<!tpu.dma_semaphore, #tpu.memory_space<semaphore_mem>>) src(%arg7 : memref<640xf32, #tpu.memory_space<vmem>>) dst(%dma_wait3A_305 : memref<640xf32, #tpu.memory_space<vmem_shared>>)
      tpu.yield
    }) : () -> ()
    %mul3A_287 = arith.constant 16 : i32
    %mul3A_288 = arith.muli %arg0, %mul3A_287 : i32
    %add3A = arith.addi %mul3A_288, %arg1 : i32
    %mul3A_289 = arith.constant 40 : i32
    %mul3A_290 = arith.muli %add3A, %mul3A_289 : i32
    "tpu.region"() ({
      %run_scoped3A = tpu.sem_alloc : memref<!tpu.dma_semaphore, #tpu.memory_space<semaphore_mem>>
      %dma_start3A = arith.constant 0 : i32
      %dma_start3A_304 = tpu.memref_slice %arg2[%mul3A_290, %dma_start3A] : memref<1280x128xi32, #tpu.memory_space<hbm>> -> memref<40x128xi32, #tpu.memory_space<hbm>>
      %dma_start3A_305 = arith.constant 0 : i32
      %dma_start3A_306 = tpu.memref_slice %arg2[%mul3A_290, %dma_start3A_305] : memref<1280x128xi32, #tpu.memory_space<hbm>> -> memref<40x128xi32, #tpu.memory_space<hbm>>
      tpu.enqueue_dma source(%dma_start3A_306 : memref<40x128xi32, #tpu.memory_space<hbm>>) target(%arg5 : memref<40x128xi32, #tpu.memory_space<vmem>>) target_semaphore(%run_scoped3A : memref<!tpu.dma_semaphore, #tpu.memory_space<semaphore_mem>>)
      %dma_wait3A = arith.constant 0 : i32
      %dma_wait3A_307 = tpu.memref_slice %arg2[%mul3A_290, %dma_wait3A] : memref<1280x128xi32, #tpu.memory_space<hbm>> -> memref<40x128xi32, #tpu.memory_space<hbm>>
      %dma_wait3A_308 = arith.constant 0 : i32
      %dma_wait3A_309 = tpu.memref_slice %arg2[%mul3A_290, %dma_wait3A_308] : memref<1280x128xi32, #tpu.memory_space<hbm>> -> memref<40x128xi32, #tpu.memory_space<hbm>>
      tpu.wait_dma2 semaphore(%run_scoped3A : memref<!tpu.dma_semaphore, #tpu.memory_space<semaphore_mem>>) src(%dma_wait3A_309 : memref<40x128xi32, #tpu.memory_space<hbm>>) dst(%arg5 : memref<40x128xi32, #tpu.memory_space<vmem>>)
      tpu.yield
    }) : () -> ()
    %barrier3A = arith.constant 0 : index
    tpu.barrier barrier_id(%barrier3A)
    %scan3A = arith.constant 0 : i32
    %scan3A_291 = arith.constant 0 : i32
    %scan3A_292 = arith.constant 40 : i32
    %scan3A_293 = arith.addi %scan3A_291, %scan3A_292 : i32
    %scan3A_294 = arith.constant 1 : i32
    scf.for %scan3A_304 = %scan3A_291 to %scan3A_293 step %scan3A_294  : i32 {
      "tpu.region"() ({
        %run_scoped3A = tpu.sem_alloc : memref<!tpu.dma_semaphore, #tpu.memory_space<semaphore_mem>>
        %dma_start3A = arith.constant 0 : i32
        %dma_start3A_305 = tpu.memref_slice %arg5[%scan3A_304, %dma_start3A] : memref<40x128xi32, #tpu.memory_space<vmem>> -> memref<1x128xi32, #tpu.memory_space<vmem>>
        %dma_start3A_306 = tpu.memref_squeeze %dma_start3A_305 : memref<1x128xi32, #tpu.memory_space<vmem>> -> memref<128xi32, #tpu.memory_space<vmem>>
        %dma_start3A_307 = arith.constant 0 : i32
        %dma_start3A_308 = tpu.memref_slice %arg8[%dma_start3A_307] : memref<10240xf32, #tpu.memory_space<vmem_shared>> -> memref<10240xf32, #tpu.memory_space<vmem_shared>>
        tpu.enqueue_indirect_dma source(%arg6 : memref<128xf32, #tpu.memory_space<vmem>>) target(%dma_start3A_308 : memref<10240xf32, #tpu.memory_space<vmem_shared>>) offsets(%dma_start3A_306 : memref<128xi32, #tpu.memory_space<vmem>>) semaphore(%run_scoped3A : memref<!tpu.dma_semaphore, #tpu.memory_space<semaphore_mem>>) {add = true}
        %dma_wait3A = arith.constant 0 : i32
        %dma_wait3A_309 = tpu.memref_slice %arg5[%scan3A_304, %dma_wait3A] : memref<40x128xi32, #tpu.memory_space<vmem>> -> memref<1x128xi32, #tpu.memory_space<vmem>>
        %dma_wait3A_310 = tpu.memref_squeeze %dma_wait3A_309 : memref<1x128xi32, #tpu.memory_space<vmem>> -> memref<128xi32, #tpu.memory_space<vmem>>
        %dma_wait3A_311 = arith.constant 0 : i32
        %dma_wait3A_312 = tpu.memref_slice %arg8[%dma_wait3A_311] : memref<10240xf32, #tpu.memory_space<vmem_shared>> -> memref<10240xf32, #tpu.memory_space<vmem_shared>>
        tpu.wait_indirect_dma semaphore(%run_scoped3A : memref<!tpu.dma_semaphore, #tpu.memory_space<semaphore_mem>>) src(%arg6 : memref<128xf32, #tpu.memory_space<vmem>>) dst(%dma_wait3A_312 : memref<10240xf32, #tpu.memory_space<vmem_shared>>)
        tpu.yield
      }) : () -> ()
    }
    %scan3A_295 = arith.constant 40 : i32
    %barrier3A_296 = arith.constant 0 : index
    tpu.barrier barrier_id(%barrier3A_296)
    %eq3A = arith.constant 0 : i32
    %eq3A_297 = arith.cmpi eq, %arg0, %eq3A : i32
    %convert_element_type3A = arith.extui %eq3A_297 : i1 to i32
    %cond3A = arith.constant 0 : i32
    %cond3A_298 = arith.cmpi ne, %convert_element_type3A, %cond3A : i32
    scf.if %cond3A_298 {
      %mul3A_304 = arith.constant 640 : i32
      %mul3A_305 = arith.muli %arg1, %mul3A_304 : i32
      %mul3A_306 = arith.constant 640 : i32
      %mul3A_307 = arith.muli %arg1, %mul3A_306 : i32
      "tpu.region"() ({
        %run_scoped3A = tpu.sem_alloc : memref<!tpu.dma_semaphore, #tpu.memory_space<semaphore_mem>>
        %dma_start3A = tpu.memref_slice %arg3[%mul3A_307] : memref<10240xf32, #tpu.memory_space<hbm>> -> memref<640xf32, #tpu.memory_space<hbm>>
        %dma_start3A_308 = tpu.memref_slice %arg8[%mul3A_305] : memref<10240xf32, #tpu.memory_space<vmem_shared>> -> memref<640xf32, #tpu.memory_space<vmem_shared>>
        tpu.enqueue_dma source(%dma_start3A_308 : memref<640xf32, #tpu.memory_space<vmem_shared>>) target(%dma_start3A : memref<640xf32, #tpu.memory_space<hbm>>) target_semaphore(%run_scoped3A : memref<!tpu.dma_semaphore, #tpu.memory_space<semaphore_mem>>)
        %dma_wait3A = tpu.memref_slice %arg3[%mul3A_307] : memref<10240xf32, #tpu.memory_space<hbm>> -> memref<640xf32, #tpu.memory_space<hbm>>
        %dma_wait3A_309 = tpu.memref_slice %arg8[%mul3A_305] : memref<10240xf32, #tpu.memory_space<vmem_shared>> -> memref<640xf32, #tpu.memory_space<vmem_shared>>
        tpu.wait_dma2 semaphore(%run_scoped3A : memref<!tpu.dma_semaphore, #tpu.memory_space<semaphore_mem>>) src(%dma_wait3A_309 : memref<640xf32, #tpu.memory_space<vmem_shared>>) dst(%dma_wait3A : memref<640xf32, #tpu.memory_space<hbm>>)
        tpu.yield
      }) : () -> ()
    } else {
    }
    %eq3A_299 = arith.constant 1 : i32
    %eq3A_300 = arith.cmpi eq, %arg0, %eq3A_299 : i32
    %convert_element_type3A_301 = arith.extui %eq3A_300 : i1 to i32
    %cond3A_302 = arith.constant 0 : i32
    %cond3A_303 = arith.cmpi ne, %convert_element_type3A_301, %cond3A_302 : i32
    scf.if %cond3A_303 {
      %mul3A_304 = arith.constant 640 : i32
      %mul3A_305 = arith.muli %arg1, %mul3A_304 : i32
      %mul3A_306 = arith.constant 640 : i32
      %mul3A_307 = arith.muli %arg1, %mul3A_306 : i32
      "tpu.region"() ({
        %run_scoped3A = tpu.sem_alloc : memref<!tpu.dma_semaphore, #tpu.memory_space<semaphore_mem>>
        %dma_start3A = tpu.memref_slice %arg4[%mul3A_307] : memref<10240xf32, #tpu.memory_space<hbm>> -> memref<640xf32, #tpu.memory_space<hbm>>
        %dma_start3A_308 = tpu.memref_slice %arg8[%mul3A_305] : memref<10240xf32, #tpu.memory_space<vmem_shared>> -> memref<640xf32, #tpu.memory_space<vmem_shared>>
        tpu.enqueue_dma source(%dma_start3A_308 : memref<640xf32, #tpu.memory_space<vmem_shared>>) target(%dma_start3A : memref<640xf32, #tpu.memory_space<hbm>>) target_semaphore(%run_scoped3A : memref<!tpu.dma_semaphore, #tpu.memory_space<semaphore_mem>>)
        %dma_wait3A = tpu.memref_slice %arg4[%mul3A_307] : memref<10240xf32, #tpu.memory_space<hbm>> -> memref<640xf32, #tpu.memory_space<hbm>>
        %dma_wait3A_309 = tpu.memref_slice %arg8[%mul3A_305] : memref<10240xf32, #tpu.memory_space<vmem_shared>> -> memref<640xf32, #tpu.memory_space<vmem_shared>>
        tpu.wait_dma2 semaphore(%run_scoped3A : memref<!tpu.dma_semaphore, #tpu.memory_space<semaphore_mem>>) src(%dma_wait3A_309 : memref<640xf32, #tpu.memory_space<vmem_shared>>) dst(%dma_wait3A : memref<640xf32, #tpu.memory_space<hbm>>)
        tpu.yield
      }) : () -> ()
    } else {
    }
    return
  }
}

#map = affine_map<(d0, d1) -> (0, 0)>
#map1 = affine_map<(d0, d1) -> (0, 0, 0)>
module attributes {stable_mosaic.version = 14 : i64} {
  func.func @_agg_body(%arg0: i32, %arg1: i32, %arg2: memref<10240x128xf32, #tpu.memory_space<hbm>>, %arg3: memref<10240x128xf32, #tpu.memory_space<hbm>>, %arg4: memref<1280x128xi32, #tpu.memory_space<hbm>>, %arg5: memref<1280x128xi32, #tpu.memory_space<hbm>>, %arg6: memref<10240x128xf32, #tpu.memory_space<hbm>>, %arg7: memref<2x10240x128xf32, #tpu.memory_space<hbm>>, %arg8: memref<40x128xi32, #tpu.memory_space<vmem>>, %arg9: memref<40x128xi32, #tpu.memory_space<vmem>>, %arg10: memref<128x128xf32, #tpu.memory_space<vmem>>, %arg11: memref<128x128xf32, #tpu.memory_space<vmem>>, %arg12: memref<!tpu.dma_semaphore, #tpu.memory_space<semaphore_mem>>, %arg13: memref<!tpu.dma_semaphore, #tpu.memory_space<semaphore_mem>>, %arg14: memref<10240x128xf32, #tpu.memory_space<vmem_shared>>) attributes {dimension_semantics = [#tpu.dimension_semantics<core_parallel>, #tpu.dimension_semantics<subcore_parallel>], iteration_bounds = array<i64: 2, 16>, scalar_prefetch = 0 : i64, scratch_operands = 7 : i64, tpu.core_type = #tpu.core_type<sc_vector_subcore>, window_params = [{transform_indices = #map}, {transform_indices = #map}, {transform_indices = #map}, {transform_indices = #map}, {transform_indices = #map}, {transform_indices = #map1}]} {
    %eq3A = arith.constant 0 : i32
    %eq3A_0 = arith.cmpi eq, %arg0, %eq3A : i32
    %convert_element_type3A = arith.extui %eq3A_0 : i1 to i32
    %cond3A = arith.constant 0 : i32
    %cond3A_1 = arith.cmpi ne, %convert_element_type3A, %cond3A : i32
    scf.if %cond3A_1 {
      %mul3A = arith.constant 80 : i32
      %mul3A_7 = arith.muli %arg1, %mul3A : i32
      %add3A = arith.constant 0 : i32
      %add3A_8 = arith.addi %mul3A_7, %add3A : i32
      "tpu.region"() ({
        %run_scoped3A_91 = tpu.sem_alloc : memref<!tpu.dma_semaphore, #tpu.memory_space<semaphore_mem>>
        %dma_start3A_92 = arith.constant 0 : i32
        %dma_start3A_93 = tpu.memref_slice %arg4[%add3A_8, %dma_start3A_92] : memref<1280x128xi32, #tpu.memory_space<hbm>> -> memref<40x128xi32, #tpu.memory_space<hbm>>
        %dma_start3A_94 = arith.constant 0 : i32
        %dma_start3A_95 = tpu.memref_slice %arg4[%add3A_8, %dma_start3A_94] : memref<1280x128xi32, #tpu.memory_space<hbm>> -> memref<40x128xi32, #tpu.memory_space<hbm>>
        tpu.enqueue_dma source(%dma_start3A_95 : memref<40x128xi32, #tpu.memory_space<hbm>>) target(%arg8 : memref<40x128xi32, #tpu.memory_space<vmem>>) target_semaphore(%run_scoped3A_91 : memref<!tpu.dma_semaphore, #tpu.memory_space<semaphore_mem>>)
        %dma_wait3A_96 = arith.constant 0 : i32
        %dma_wait3A_97 = tpu.memref_slice %arg4[%add3A_8, %dma_wait3A_96] : memref<1280x128xi32, #tpu.memory_space<hbm>> -> memref<40x128xi32, #tpu.memory_space<hbm>>
        %dma_wait3A_98 = arith.constant 0 : i32
        %dma_wait3A_99 = tpu.memref_slice %arg4[%add3A_8, %dma_wait3A_98] : memref<1280x128xi32, #tpu.memory_space<hbm>> -> memref<40x128xi32, #tpu.memory_space<hbm>>
        tpu.wait_dma2 semaphore(%run_scoped3A_91 : memref<!tpu.dma_semaphore, #tpu.memory_space<semaphore_mem>>) src(%dma_wait3A_99 : memref<40x128xi32, #tpu.memory_space<hbm>>) dst(%arg8 : memref<40x128xi32, #tpu.memory_space<vmem>>)
        tpu.yield
      }) : () -> ()
      "tpu.region"() ({
        %run_scoped3A_91 = tpu.sem_alloc : memref<!tpu.dma_semaphore, #tpu.memory_space<semaphore_mem>>
        %dma_start3A_92 = arith.constant 0 : i32
        %dma_start3A_93 = tpu.memref_slice %arg5[%add3A_8, %dma_start3A_92] : memref<1280x128xi32, #tpu.memory_space<hbm>> -> memref<40x128xi32, #tpu.memory_space<hbm>>
        %dma_start3A_94 = arith.constant 0 : i32
        %dma_start3A_95 = tpu.memref_slice %arg5[%add3A_8, %dma_start3A_94] : memref<1280x128xi32, #tpu.memory_space<hbm>> -> memref<40x128xi32, #tpu.memory_space<hbm>>
        tpu.enqueue_dma source(%dma_start3A_95 : memref<40x128xi32, #tpu.memory_space<hbm>>) target(%arg9 : memref<40x128xi32, #tpu.memory_space<vmem>>) target_semaphore(%run_scoped3A_91 : memref<!tpu.dma_semaphore, #tpu.memory_space<semaphore_mem>>)
        %dma_wait3A_96 = arith.constant 0 : i32
        %dma_wait3A_97 = tpu.memref_slice %arg5[%add3A_8, %dma_wait3A_96] : memref<1280x128xi32, #tpu.memory_space<hbm>> -> memref<40x128xi32, #tpu.memory_space<hbm>>
        %dma_wait3A_98 = arith.constant 0 : i32
        %dma_wait3A_99 = tpu.memref_slice %arg5[%add3A_8, %dma_wait3A_98] : memref<1280x128xi32, #tpu.memory_space<hbm>> -> memref<40x128xi32, #tpu.memory_space<hbm>>
        tpu.wait_dma2 semaphore(%run_scoped3A_91 : memref<!tpu.dma_semaphore, #tpu.memory_space<semaphore_mem>>) src(%dma_wait3A_99 : memref<40x128xi32, #tpu.memory_space<hbm>>) dst(%arg9 : memref<40x128xi32, #tpu.memory_space<vmem>>)
        tpu.yield
      }) : () -> ()
      %dma_start3A = arith.constant 0 : i32
      %dma_start3A_9 = arith.constant 0 : i32
      %dma_start3A_10 = tpu.memref_slice %arg8[%dma_start3A, %dma_start3A_9] : memref<40x128xi32, #tpu.memory_space<vmem>> -> memref<1x128xi32, #tpu.memory_space<vmem>>
      %dma_start3A_11 = tpu.memref_squeeze %dma_start3A_10 : memref<1x128xi32, #tpu.memory_space<vmem>> -> memref<128xi32, #tpu.memory_space<vmem>>
      %dma_start3A_12 = arith.constant 0 : i32
      %dma_start3A_13 = arith.constant 0 : i32
      %dma_start3A_14 = tpu.memref_slice %arg2[%dma_start3A_12, %dma_start3A_13] : memref<10240x128xf32, #tpu.memory_space<hbm>> -> memref<10240x128xf32, #tpu.memory_space<hbm>>
      tpu.enqueue_indirect_dma source(%dma_start3A_14 : memref<10240x128xf32, #tpu.memory_space<hbm>>) target(%arg10 : memref<128x128xf32, #tpu.memory_space<vmem>>) offsets(%dma_start3A_11 : memref<128xi32, #tpu.memory_space<vmem>>) semaphore(%arg12 : memref<!tpu.dma_semaphore, #tpu.memory_space<semaphore_mem>>)
      %dma_start3A_15 = arith.constant 1 : i32
      %dma_start3A_16 = arith.constant 0 : i32
      %dma_start3A_17 = tpu.memref_slice %arg8[%dma_start3A_15, %dma_start3A_16] : memref<40x128xi32, #tpu.memory_space<vmem>> -> memref<1x128xi32, #tpu.memory_space<vmem>>
      %dma_start3A_18 = tpu.memref_squeeze %dma_start3A_17 : memref<1x128xi32, #tpu.memory_space<vmem>> -> memref<128xi32, #tpu.memory_space<vmem>>
      %dma_start3A_19 = arith.constant 0 : i32
      %dma_start3A_20 = arith.constant 0 : i32
      %dma_start3A_21 = tpu.memref_slice %arg2[%dma_start3A_19, %dma_start3A_20] : memref<10240x128xf32, #tpu.memory_space<hbm>> -> memref<10240x128xf32, #tpu.memory_space<hbm>>
      tpu.enqueue_indirect_dma source(%dma_start3A_21 : memref<10240x128xf32, #tpu.memory_space<hbm>>) target(%arg11 : memref<128x128xf32, #tpu.memory_space<vmem>>) offsets(%dma_start3A_18 : memref<128xi32, #tpu.memory_space<vmem>>) semaphore(%arg13 : memref<!tpu.dma_semaphore, #tpu.memory_space<semaphore_mem>>)
      %mul3A_22 = arith.constant 640 : i32
      %mul3A_23 = arith.muli %arg1, %mul3A_22 : i32
      %mul3A_24 = arith.constant 640 : i32
      %mul3A_25 = arith.muli %arg1, %mul3A_24 : i32
      "tpu.region"() ({
        %run_scoped3A_91 = tpu.sem_alloc : memref<!tpu.dma_semaphore, #tpu.memory_space<semaphore_mem>>
        %dma_start3A_92 = arith.constant 0 : i32
        %dma_start3A_93 = tpu.memref_slice %arg14[%mul3A_25, %dma_start3A_92] : memref<10240x128xf32, #tpu.memory_space<vmem_shared>> -> memref<640x128xf32, #tpu.memory_space<vmem_shared>>
        %dma_start3A_94 = arith.constant 0 : i32
        %dma_start3A_95 = tpu.memref_slice %arg6[%mul3A_23, %dma_start3A_94] : memref<10240x128xf32, #tpu.memory_space<hbm>> -> memref<640x128xf32, #tpu.memory_space<hbm>>
        tpu.enqueue_dma source(%dma_start3A_95 : memref<640x128xf32, #tpu.memory_space<hbm>>) target(%dma_start3A_93 : memref<640x128xf32, #tpu.memory_space<vmem_shared>>) target_semaphore(%run_scoped3A_91 : memref<!tpu.dma_semaphore, #tpu.memory_space<semaphore_mem>>)
        %dma_wait3A_96 = arith.constant 0 : i32
        %dma_wait3A_97 = tpu.memref_slice %arg14[%mul3A_25, %dma_wait3A_96] : memref<10240x128xf32, #tpu.memory_space<vmem_shared>> -> memref<640x128xf32, #tpu.memory_space<vmem_shared>>
        %dma_wait3A_98 = arith.constant 0 : i32
        %dma_wait3A_99 = tpu.memref_slice %arg6[%mul3A_23, %dma_wait3A_98] : memref<10240x128xf32, #tpu.memory_space<hbm>> -> memref<640x128xf32, #tpu.memory_space<hbm>>
        tpu.wait_dma2 semaphore(%run_scoped3A_91 : memref<!tpu.dma_semaphore, #tpu.memory_space<semaphore_mem>>) src(%dma_wait3A_99 : memref<640x128xf32, #tpu.memory_space<hbm>>) dst(%dma_wait3A_97 : memref<640x128xf32, #tpu.memory_space<vmem_shared>>)
        tpu.yield
      }) : () -> ()
      %barrier3A = arith.constant 0 : index
      tpu.barrier barrier_id(%barrier3A)
      %scan3A = arith.constant 0 : i32
      %scan3A_26 = arith.constant 0 : i32
      %scan3A_27 = arith.constant 19 : i32
      %scan3A_28 = arith.addi %scan3A_26, %scan3A_27 : i32
      %scan3A_29 = arith.constant 1 : i32
      scf.for %scan3A_91 = %scan3A_26 to %scan3A_28 step %scan3A_29  : i32 {
        %mul3A_92 = arith.constant 2 : i32
        %mul3A_93 = arith.muli %scan3A_91, %mul3A_92 : i32
        %add3A_94 = arith.constant 0 : i32
        %add3A_95 = arith.addi %mul3A_93, %add3A_94 : i32
        %dma_wait3A_96 = arith.constant 0 : i32
        %dma_wait3A_97 = tpu.memref_slice %arg8[%add3A_95, %dma_wait3A_96] : memref<40x128xi32, #tpu.memory_space<vmem>> -> memref<1x128xi32, #tpu.memory_space<vmem>>
        %dma_wait3A_98 = tpu.memref_squeeze %dma_wait3A_97 : memref<1x128xi32, #tpu.memory_space<vmem>> -> memref<128xi32, #tpu.memory_space<vmem>>
        %dma_wait3A_99 = arith.constant 0 : i32
        %dma_wait3A_100 = arith.constant 0 : i32
        %dma_wait3A_101 = tpu.memref_slice %arg2[%dma_wait3A_99, %dma_wait3A_100] : memref<10240x128xf32, #tpu.memory_space<hbm>> -> memref<10240x128xf32, #tpu.memory_space<hbm>>
        tpu.wait_indirect_dma semaphore(%arg12 : memref<!tpu.dma_semaphore, #tpu.memory_space<semaphore_mem>>) src(%dma_wait3A_101 : memref<10240x128xf32, #tpu.memory_space<hbm>>) dst(%arg10 : memref<128x128xf32, #tpu.memory_space<vmem>>)
        %add3A_102 = arith.constant 0 : i32
        %add3A_103 = arith.addi %mul3A_93, %add3A_102 : i32
        "tpu.region"() ({
          %run_scoped3A_134 = tpu.sem_alloc : memref<!tpu.dma_semaphore, #tpu.memory_space<semaphore_mem>>
          %dma_start3A_135 = arith.constant 0 : i32
          %dma_start3A_136 = tpu.memref_slice %arg9[%add3A_103, %dma_start3A_135] : memref<40x128xi32, #tpu.memory_space<vmem>> -> memref<1x128xi32, #tpu.memory_space<vmem>>
          %dma_start3A_137 = tpu.memref_squeeze %dma_start3A_136 : memref<1x128xi32, #tpu.memory_space<vmem>> -> memref<128xi32, #tpu.memory_space<vmem>>
          %dma_start3A_138 = arith.constant 0 : i32
          %dma_start3A_139 = arith.constant 0 : i32
          %dma_start3A_140 = tpu.memref_slice %arg14[%dma_start3A_138, %dma_start3A_139] : memref<10240x128xf32, #tpu.memory_space<vmem_shared>> -> memref<10240x128xf32, #tpu.memory_space<vmem_shared>>
          tpu.enqueue_indirect_dma source(%arg10 : memref<128x128xf32, #tpu.memory_space<vmem>>) target(%dma_start3A_140 : memref<10240x128xf32, #tpu.memory_space<vmem_shared>>) offsets(%dma_start3A_137 : memref<128xi32, #tpu.memory_space<vmem>>) semaphore(%run_scoped3A_134 : memref<!tpu.dma_semaphore, #tpu.memory_space<semaphore_mem>>) {add = true}
          %dma_wait3A_141 = arith.constant 0 : i32
          %dma_wait3A_142 = tpu.memref_slice %arg9[%add3A_103, %dma_wait3A_141] : memref<40x128xi32, #tpu.memory_space<vmem>> -> memref<1x128xi32, #tpu.memory_space<vmem>>
          %dma_wait3A_143 = tpu.memref_squeeze %dma_wait3A_142 : memref<1x128xi32, #tpu.memory_space<vmem>> -> memref<128xi32, #tpu.memory_space<vmem>>
          %dma_wait3A_144 = arith.constant 0 : i32
          %dma_wait3A_145 = arith.constant 0 : i32
          %dma_wait3A_146 = tpu.memref_slice %arg14[%dma_wait3A_144, %dma_wait3A_145] : memref<10240x128xf32, #tpu.memory_space<vmem_shared>> -> memref<10240x128xf32, #tpu.memory_space<vmem_shared>>
          tpu.wait_indirect_dma semaphore(%run_scoped3A_134 : memref<!tpu.dma_semaphore, #tpu.memory_space<semaphore_mem>>) src(%arg10 : memref<128x128xf32, #tpu.memory_space<vmem>>) dst(%dma_wait3A_146 : memref<10240x128xf32, #tpu.memory_space<vmem_shared>>)
          tpu.yield
        }) : () -> ()
        %add3A_104 = arith.constant 2 : i32
        %add3A_105 = arith.addi %mul3A_93, %add3A_104 : i32
        %add3A_106 = arith.constant 0 : i32
        %add3A_107 = arith.addi %add3A_105, %add3A_106 : i32
        %dma_start3A_108 = arith.constant 0 : i32
        %dma_start3A_109 = tpu.memref_slice %arg8[%add3A_107, %dma_start3A_108] : memref<40x128xi32, #tpu.memory_space<vmem>> -> memref<1x128xi32, #tpu.memory_space<vmem>>
        %dma_start3A_110 = tpu.memref_squeeze %dma_start3A_109 : memref<1x128xi32, #tpu.memory_space<vmem>> -> memref<128xi32, #tpu.memory_space<vmem>>
        %dma_start3A_111 = arith.constant 0 : i32
        %dma_start3A_112 = arith.constant 0 : i32
        %dma_start3A_113 = tpu.memref_slice %arg2[%dma_start3A_111, %dma_start3A_112] : memref<10240x128xf32, #tpu.memory_space<hbm>> -> memref<10240x128xf32, #tpu.memory_space<hbm>>
        tpu.enqueue_indirect_dma source(%dma_start3A_113 : memref<10240x128xf32, #tpu.memory_space<hbm>>) target(%arg10 : memref<128x128xf32, #tpu.memory_space<vmem>>) offsets(%dma_start3A_110 : memref<128xi32, #tpu.memory_space<vmem>>) semaphore(%arg12 : memref<!tpu.dma_semaphore, #tpu.memory_space<semaphore_mem>>)
        %add3A_114 = arith.constant 1 : i32
        %add3A_115 = arith.addi %mul3A_93, %add3A_114 : i32
        %dma_wait3A_116 = arith.constant 0 : i32
        %dma_wait3A_117 = tpu.memref_slice %arg8[%add3A_115, %dma_wait3A_116] : memref<40x128xi32, #tpu.memory_space<vmem>> -> memref<1x128xi32, #tpu.memory_space<vmem>>
        %dma_wait3A_118 = tpu.memref_squeeze %dma_wait3A_117 : memref<1x128xi32, #tpu.memory_space<vmem>> -> memref<128xi32, #tpu.memory_space<vmem>>
        %dma_wait3A_119 = arith.constant 0 : i32
        %dma_wait3A_120 = arith.constant 0 : i32
        %dma_wait3A_121 = tpu.memref_slice %arg2[%dma_wait3A_119, %dma_wait3A_120] : memref<10240x128xf32, #tpu.memory_space<hbm>> -> memref<10240x128xf32, #tpu.memory_space<hbm>>
        tpu.wait_indirect_dma semaphore(%arg13 : memref<!tpu.dma_semaphore, #tpu.memory_space<semaphore_mem>>) src(%dma_wait3A_121 : memref<10240x128xf32, #tpu.memory_space<hbm>>) dst(%arg11 : memref<128x128xf32, #tpu.memory_space<vmem>>)
        %add3A_122 = arith.constant 1 : i32
        %add3A_123 = arith.addi %mul3A_93, %add3A_122 : i32
        "tpu.region"() ({
          %run_scoped3A_134 = tpu.sem_alloc : memref<!tpu.dma_semaphore, #tpu.memory_space<semaphore_mem>>
          %dma_start3A_135 = arith.constant 0 : i32
          %dma_start3A_136 = tpu.memref_slice %arg9[%add3A_123, %dma_start3A_135] : memref<40x128xi32, #tpu.memory_space<vmem>> -> memref<1x128xi32, #tpu.memory_space<vmem>>
          %dma_start3A_137 = tpu.memref_squeeze %dma_start3A_136 : memref<1x128xi32, #tpu.memory_space<vmem>> -> memref<128xi32, #tpu.memory_space<vmem>>
          %dma_start3A_138 = arith.constant 0 : i32
          %dma_start3A_139 = arith.constant 0 : i32
          %dma_start3A_140 = tpu.memref_slice %arg14[%dma_start3A_138, %dma_start3A_139] : memref<10240x128xf32, #tpu.memory_space<vmem_shared>> -> memref<10240x128xf32, #tpu.memory_space<vmem_shared>>
          tpu.enqueue_indirect_dma source(%arg11 : memref<128x128xf32, #tpu.memory_space<vmem>>) target(%dma_start3A_140 : memref<10240x128xf32, #tpu.memory_space<vmem_shared>>) offsets(%dma_start3A_137 : memref<128xi32, #tpu.memory_space<vmem>>) semaphore(%run_scoped3A_134 : memref<!tpu.dma_semaphore, #tpu.memory_space<semaphore_mem>>) {add = true}
          %dma_wait3A_141 = arith.constant 0 : i32
          %dma_wait3A_142 = tpu.memref_slice %arg9[%add3A_123, %dma_wait3A_141] : memref<40x128xi32, #tpu.memory_space<vmem>> -> memref<1x128xi32, #tpu.memory_space<vmem>>
          %dma_wait3A_143 = tpu.memref_squeeze %dma_wait3A_142 : memref<1x128xi32, #tpu.memory_space<vmem>> -> memref<128xi32, #tpu.memory_space<vmem>>
          %dma_wait3A_144 = arith.constant 0 : i32
          %dma_wait3A_145 = arith.constant 0 : i32
          %dma_wait3A_146 = tpu.memref_slice %arg14[%dma_wait3A_144, %dma_wait3A_145] : memref<10240x128xf32, #tpu.memory_space<vmem_shared>> -> memref<10240x128xf32, #tpu.memory_space<vmem_shared>>
          tpu.wait_indirect_dma semaphore(%run_scoped3A_134 : memref<!tpu.dma_semaphore, #tpu.memory_space<semaphore_mem>>) src(%arg11 : memref<128x128xf32, #tpu.memory_space<vmem>>) dst(%dma_wait3A_146 : memref<10240x128xf32, #tpu.memory_space<vmem_shared>>)
          tpu.yield
        }) : () -> ()
        %add3A_124 = arith.constant 2 : i32
        %add3A_125 = arith.addi %mul3A_93, %add3A_124 : i32
        %add3A_126 = arith.constant 1 : i32
        %add3A_127 = arith.addi %add3A_125, %add3A_126 : i32
        %dma_start3A_128 = arith.constant 0 : i32
        %dma_start3A_129 = tpu.memref_slice %arg8[%add3A_127, %dma_start3A_128] : memref<40x128xi32, #tpu.memory_space<vmem>> -> memref<1x128xi32, #tpu.memory_space<vmem>>
        %dma_start3A_130 = tpu.memref_squeeze %dma_start3A_129 : memref<1x128xi32, #tpu.memory_space<vmem>> -> memref<128xi32, #tpu.memory_space<vmem>>
        %dma_start3A_131 = arith.constant 0 : i32
        %dma_start3A_132 = arith.constant 0 : i32
        %dma_start3A_133 = tpu.memref_slice %arg2[%dma_start3A_131, %dma_start3A_132] : memref<10240x128xf32, #tpu.memory_space<hbm>> -> memref<10240x128xf32, #tpu.memory_space<hbm>>
        tpu.enqueue_indirect_dma source(%dma_start3A_133 : memref<10240x128xf32, #tpu.memory_space<hbm>>) target(%arg11 : memref<128x128xf32, #tpu.memory_space<vmem>>) offsets(%dma_start3A_130 : memref<128xi32, #tpu.memory_space<vmem>>) semaphore(%arg13 : memref<!tpu.dma_semaphore, #tpu.memory_space<semaphore_mem>>)
      }
      %scan3A_30 = arith.constant 19 : i32
      %dma_wait3A = arith.constant 38 : i32
      %dma_wait3A_31 = arith.constant 0 : i32
      %dma_wait3A_32 = tpu.memref_slice %arg8[%dma_wait3A, %dma_wait3A_31] : memref<40x128xi32, #tpu.memory_space<vmem>> -> memref<1x128xi32, #tpu.memory_space<vmem>>
      %dma_wait3A_33 = tpu.memref_squeeze %dma_wait3A_32 : memref<1x128xi32, #tpu.memory_space<vmem>> -> memref<128xi32, #tpu.memory_space<vmem>>
      %dma_wait3A_34 = arith.constant 0 : i32
      %dma_wait3A_35 = arith.constant 0 : i32
      %dma_wait3A_36 = tpu.memref_slice %arg2[%dma_wait3A_34, %dma_wait3A_35] : memref<10240x128xf32, #tpu.memory_space<hbm>> -> memref<10240x128xf32, #tpu.memory_space<hbm>>
      tpu.wait_indirect_dma semaphore(%arg12 : memref<!tpu.dma_semaphore, #tpu.memory_space<semaphore_mem>>) src(%dma_wait3A_36 : memref<10240x128xf32, #tpu.memory_space<hbm>>) dst(%arg10 : memref<128x128xf32, #tpu.memory_space<vmem>>)
      %run_scoped3A = arith.constant 38 : i32
      "tpu.region"() ({
        %run_scoped3A_91 = tpu.sem_alloc : memref<!tpu.dma_semaphore, #tpu.memory_space<semaphore_mem>>
        %dma_start3A_92 = arith.constant 0 : i32
        %dma_start3A_93 = tpu.memref_slice %arg9[%run_scoped3A, %dma_start3A_92] : memref<40x128xi32, #tpu.memory_space<vmem>> -> memref<1x128xi32, #tpu.memory_space<vmem>>
        %dma_start3A_94 = tpu.memref_squeeze %dma_start3A_93 : memref<1x128xi32, #tpu.memory_space<vmem>> -> memref<128xi32, #tpu.memory_space<vmem>>
        %dma_start3A_95 = arith.constant 0 : i32
        %dma_start3A_96 = arith.constant 0 : i32
        %dma_start3A_97 = tpu.memref_slice %arg14[%dma_start3A_95, %dma_start3A_96] : memref<10240x128xf32, #tpu.memory_space<vmem_shared>> -> memref<10240x128xf32, #tpu.memory_space<vmem_shared>>
        tpu.enqueue_indirect_dma source(%arg10 : memref<128x128xf32, #tpu.memory_space<vmem>>) target(%dma_start3A_97 : memref<10240x128xf32, #tpu.memory_space<vmem_shared>>) offsets(%dma_start3A_94 : memref<128xi32, #tpu.memory_space<vmem>>) semaphore(%run_scoped3A_91 : memref<!tpu.dma_semaphore, #tpu.memory_space<semaphore_mem>>) {add = true}
        %dma_wait3A_98 = arith.constant 0 : i32
        %dma_wait3A_99 = tpu.memref_slice %arg9[%run_scoped3A, %dma_wait3A_98] : memref<40x128xi32, #tpu.memory_space<vmem>> -> memref<1x128xi32, #tpu.memory_space<vmem>>
        %dma_wait3A_100 = tpu.memref_squeeze %dma_wait3A_99 : memref<1x128xi32, #tpu.memory_space<vmem>> -> memref<128xi32, #tpu.memory_space<vmem>>
        %dma_wait3A_101 = arith.constant 0 : i32
        %dma_wait3A_102 = arith.constant 0 : i32
        %dma_wait3A_103 = tpu.memref_slice %arg14[%dma_wait3A_101, %dma_wait3A_102] : memref<10240x128xf32, #tpu.memory_space<vmem_shared>> -> memref<10240x128xf32, #tpu.memory_space<vmem_shared>>
        tpu.wait_indirect_dma semaphore(%run_scoped3A_91 : memref<!tpu.dma_semaphore, #tpu.memory_space<semaphore_mem>>) src(%arg10 : memref<128x128xf32, #tpu.memory_space<vmem>>) dst(%dma_wait3A_103 : memref<10240x128xf32, #tpu.memory_space<vmem_shared>>)
        tpu.yield
      }) : () -> ()
      %dma_wait3A_37 = arith.constant 39 : i32
      %dma_wait3A_38 = arith.constant 0 : i32
      %dma_wait3A_39 = tpu.memref_slice %arg8[%dma_wait3A_37, %dma_wait3A_38] : memref<40x128xi32, #tpu.memory_space<vmem>> -> memref<1x128xi32, #tpu.memory_space<vmem>>
      %dma_wait3A_40 = tpu.memref_squeeze %dma_wait3A_39 : memref<1x128xi32, #tpu.memory_space<vmem>> -> memref<128xi32, #tpu.memory_space<vmem>>
      %dma_wait3A_41 = arith.constant 0 : i32
      %dma_wait3A_42 = arith.constant 0 : i32
      %dma_wait3A_43 = tpu.memref_slice %arg2[%dma_wait3A_41, %dma_wait3A_42] : memref<10240x128xf32, #tpu.memory_space<hbm>> -> memref<10240x128xf32, #tpu.memory_space<hbm>>
      tpu.wait_indirect_dma semaphore(%arg13 : memref<!tpu.dma_semaphore, #tpu.memory_space<semaphore_mem>>) src(%dma_wait3A_43 : memref<10240x128xf32, #tpu.memory_space<hbm>>) dst(%arg11 : memref<128x128xf32, #tpu.memory_space<vmem>>)
      %run_scoped3A_44 = arith.constant 39 : i32
      "tpu.region"() ({
        %run_scoped3A_91 = tpu.sem_alloc : memref<!tpu.dma_semaphore, #tpu.memory_space<semaphore_mem>>
        %dma_start3A_92 = arith.constant 0 : i32
        %dma_start3A_93 = tpu.memref_slice %arg9[%run_scoped3A_44, %dma_start3A_92] : memref<40x128xi32, #tpu.memory_space<vmem>> -> memref<1x128xi32, #tpu.memory_space<vmem>>
        %dma_start3A_94 = tpu.memref_squeeze %dma_start3A_93 : memref<1x128xi32, #tpu.memory_space<vmem>> -> memref<128xi32, #tpu.memory_space<vmem>>
        %dma_start3A_95 = arith.constant 0 : i32
        %dma_start3A_96 = arith.constant 0 : i32
        %dma_start3A_97 = tpu.memref_slice %arg14[%dma_start3A_95, %dma_start3A_96] : memref<10240x128xf32, #tpu.memory_space<vmem_shared>> -> memref<10240x128xf32, #tpu.memory_space<vmem_shared>>
        tpu.enqueue_indirect_dma source(%arg11 : memref<128x128xf32, #tpu.memory_space<vmem>>) target(%dma_start3A_97 : memref<10240x128xf32, #tpu.memory_space<vmem_shared>>) offsets(%dma_start3A_94 : memref<128xi32, #tpu.memory_space<vmem>>) semaphore(%run_scoped3A_91 : memref<!tpu.dma_semaphore, #tpu.memory_space<semaphore_mem>>) {add = true}
        %dma_wait3A_98 = arith.constant 0 : i32
        %dma_wait3A_99 = tpu.memref_slice %arg9[%run_scoped3A_44, %dma_wait3A_98] : memref<40x128xi32, #tpu.memory_space<vmem>> -> memref<1x128xi32, #tpu.memory_space<vmem>>
        %dma_wait3A_100 = tpu.memref_squeeze %dma_wait3A_99 : memref<1x128xi32, #tpu.memory_space<vmem>> -> memref<128xi32, #tpu.memory_space<vmem>>
        %dma_wait3A_101 = arith.constant 0 : i32
        %dma_wait3A_102 = arith.constant 0 : i32
        %dma_wait3A_103 = tpu.memref_slice %arg14[%dma_wait3A_101, %dma_wait3A_102] : memref<10240x128xf32, #tpu.memory_space<vmem_shared>> -> memref<10240x128xf32, #tpu.memory_space<vmem_shared>>
        tpu.wait_indirect_dma semaphore(%run_scoped3A_91 : memref<!tpu.dma_semaphore, #tpu.memory_space<semaphore_mem>>) src(%arg11 : memref<128x128xf32, #tpu.memory_space<vmem>>) dst(%dma_wait3A_103 : memref<10240x128xf32, #tpu.memory_space<vmem_shared>>)
        tpu.yield
      }) : () -> ()
      %mul3A_45 = arith.constant 80 : i32
      %mul3A_46 = arith.muli %arg1, %mul3A_45 : i32
      %add3A_47 = arith.constant 40 : i32
      %add3A_48 = arith.addi %mul3A_46, %add3A_47 : i32
      "tpu.region"() ({
        %run_scoped3A_91 = tpu.sem_alloc : memref<!tpu.dma_semaphore, #tpu.memory_space<semaphore_mem>>
        %dma_start3A_92 = arith.constant 0 : i32
        %dma_start3A_93 = tpu.memref_slice %arg4[%add3A_48, %dma_start3A_92] : memref<1280x128xi32, #tpu.memory_space<hbm>> -> memref<40x128xi32, #tpu.memory_space<hbm>>
        %dma_start3A_94 = arith.constant 0 : i32
        %dma_start3A_95 = tpu.memref_slice %arg4[%add3A_48, %dma_start3A_94] : memref<1280x128xi32, #tpu.memory_space<hbm>> -> memref<40x128xi32, #tpu.memory_space<hbm>>
        tpu.enqueue_dma source(%dma_start3A_95 : memref<40x128xi32, #tpu.memory_space<hbm>>) target(%arg8 : memref<40x128xi32, #tpu.memory_space<vmem>>) target_semaphore(%run_scoped3A_91 : memref<!tpu.dma_semaphore, #tpu.memory_space<semaphore_mem>>)
        %dma_wait3A_96 = arith.constant 0 : i32
        %dma_wait3A_97 = tpu.memref_slice %arg4[%add3A_48, %dma_wait3A_96] : memref<1280x128xi32, #tpu.memory_space<hbm>> -> memref<40x128xi32, #tpu.memory_space<hbm>>
        %dma_wait3A_98 = arith.constant 0 : i32
        %dma_wait3A_99 = tpu.memref_slice %arg4[%add3A_48, %dma_wait3A_98] : memref<1280x128xi32, #tpu.memory_space<hbm>> -> memref<40x128xi32, #tpu.memory_space<hbm>>
        tpu.wait_dma2 semaphore(%run_scoped3A_91 : memref<!tpu.dma_semaphore, #tpu.memory_space<semaphore_mem>>) src(%dma_wait3A_99 : memref<40x128xi32, #tpu.memory_space<hbm>>) dst(%arg8 : memref<40x128xi32, #tpu.memory_space<vmem>>)
        tpu.yield
      }) : () -> ()
      "tpu.region"() ({
        %run_scoped3A_91 = tpu.sem_alloc : memref<!tpu.dma_semaphore, #tpu.memory_space<semaphore_mem>>
        %dma_start3A_92 = arith.constant 0 : i32
        %dma_start3A_93 = tpu.memref_slice %arg5[%add3A_48, %dma_start3A_92] : memref<1280x128xi32, #tpu.memory_space<hbm>> -> memref<40x128xi32, #tpu.memory_space<hbm>>
        %dma_start3A_94 = arith.constant 0 : i32
        %dma_start3A_95 = tpu.memref_slice %arg5[%add3A_48, %dma_start3A_94] : memref<1280x128xi32, #tpu.memory_space<hbm>> -> memref<40x128xi32, #tpu.memory_space<hbm>>
        tpu.enqueue_dma source(%dma_start3A_95 : memref<40x128xi32, #tpu.memory_space<hbm>>) target(%arg9 : memref<40x128xi32, #tpu.memory_space<vmem>>) target_semaphore(%run_scoped3A_91 : memref<!tpu.dma_semaphore, #tpu.memory_space<semaphore_mem>>)
        %dma_wait3A_96 = arith.constant 0 : i32
        %dma_wait3A_97 = tpu.memref_slice %arg5[%add3A_48, %dma_wait3A_96] : memref<1280x128xi32, #tpu.memory_space<hbm>> -> memref<40x128xi32, #tpu.memory_space<hbm>>
        %dma_wait3A_98 = arith.constant 0 : i32
        %dma_wait3A_99 = tpu.memref_slice %arg5[%add3A_48, %dma_wait3A_98] : memref<1280x128xi32, #tpu.memory_space<hbm>> -> memref<40x128xi32, #tpu.memory_space<hbm>>
        tpu.wait_dma2 semaphore(%run_scoped3A_91 : memref<!tpu.dma_semaphore, #tpu.memory_space<semaphore_mem>>) src(%dma_wait3A_99 : memref<40x128xi32, #tpu.memory_space<hbm>>) dst(%arg9 : memref<40x128xi32, #tpu.memory_space<vmem>>)
        tpu.yield
      }) : () -> ()
      %dma_start3A_49 = arith.constant 0 : i32
      %dma_start3A_50 = arith.constant 0 : i32
      %dma_start3A_51 = tpu.memref_slice %arg8[%dma_start3A_49, %dma_start3A_50] : memref<40x128xi32, #tpu.memory_space<vmem>> -> memref<1x128xi32, #tpu.memory_space<vmem>>
      %dma_start3A_52 = tpu.memref_squeeze %dma_start3A_51 : memref<1x128xi32, #tpu.memory_space<vmem>> -> memref<128xi32, #tpu.memory_space<vmem>>
      %dma_start3A_53 = arith.constant 0 : i32
      %dma_start3A_54 = arith.constant 0 : i32
      %dma_start3A_55 = tpu.memref_slice %arg2[%dma_start3A_53, %dma_start3A_54] : memref<10240x128xf32, #tpu.memory_space<hbm>> -> memref<10240x128xf32, #tpu.memory_space<hbm>>
      tpu.enqueue_indirect_dma source(%dma_start3A_55 : memref<10240x128xf32, #tpu.memory_space<hbm>>) target(%arg10 : memref<128x128xf32, #tpu.memory_space<vmem>>) offsets(%dma_start3A_52 : memref<128xi32, #tpu.memory_space<vmem>>) semaphore(%arg12 : memref<!tpu.dma_semaphore, #tpu.memory_space<semaphore_mem>>)
      %dma_start3A_56 = arith.constant 1 : i32
      %dma_start3A_57 = arith.constant 0 : i32
      %dma_start3A_58 = tpu.memref_slice %arg8[%dma_start3A_56, %dma_start3A_57] : memref<40x128xi32, #tpu.memory_space<vmem>> -> memref<1x128xi32, #tpu.memory_space<vmem>>
      %dma_start3A_59 = tpu.memref_squeeze %dma_start3A_58 : memref<1x128xi32, #tpu.memory_space<vmem>> -> memref<128xi32, #tpu.memory_space<vmem>>
      %dma_start3A_60 = arith.constant 0 : i32
      %dma_start3A_61 = arith.constant 0 : i32
      %dma_start3A_62 = tpu.memref_slice %arg2[%dma_start3A_60, %dma_start3A_61] : memref<10240x128xf32, #tpu.memory_space<hbm>> -> memref<10240x128xf32, #tpu.memory_space<hbm>>
      tpu.enqueue_indirect_dma source(%dma_start3A_62 : memref<10240x128xf32, #tpu.memory_space<hbm>>) target(%arg11 : memref<128x128xf32, #tpu.memory_space<vmem>>) offsets(%dma_start3A_59 : memref<128xi32, #tpu.memory_space<vmem>>) semaphore(%arg13 : memref<!tpu.dma_semaphore, #tpu.memory_space<semaphore_mem>>)
      %scan3A_63 = arith.constant 0 : i32
      %scan3A_64 = arith.constant 0 : i32
      %scan3A_65 = arith.constant 19 : i32
      %scan3A_66 = arith.addi %scan3A_64, %scan3A_65 : i32
      %scan3A_67 = arith.constant 1 : i32
      scf.for %scan3A_91 = %scan3A_64 to %scan3A_66 step %scan3A_67  : i32 {
        %mul3A_92 = arith.constant 2 : i32
        %mul3A_93 = arith.muli %scan3A_91, %mul3A_92 : i32
        %add3A_94 = arith.constant 0 : i32
        %add3A_95 = arith.addi %mul3A_93, %add3A_94 : i32
        %dma_wait3A_96 = arith.constant 0 : i32
        %dma_wait3A_97 = tpu.memref_slice %arg8[%add3A_95, %dma_wait3A_96] : memref<40x128xi32, #tpu.memory_space<vmem>> -> memref<1x128xi32, #tpu.memory_space<vmem>>
        %dma_wait3A_98 = tpu.memref_squeeze %dma_wait3A_97 : memref<1x128xi32, #tpu.memory_space<vmem>> -> memref<128xi32, #tpu.memory_space<vmem>>
        %dma_wait3A_99 = arith.constant 0 : i32
        %dma_wait3A_100 = arith.constant 0 : i32
        %dma_wait3A_101 = tpu.memref_slice %arg2[%dma_wait3A_99, %dma_wait3A_100] : memref<10240x128xf32, #tpu.memory_space<hbm>> -> memref<10240x128xf32, #tpu.memory_space<hbm>>
        tpu.wait_indirect_dma semaphore(%arg12 : memref<!tpu.dma_semaphore, #tpu.memory_space<semaphore_mem>>) src(%dma_wait3A_101 : memref<10240x128xf32, #tpu.memory_space<hbm>>) dst(%arg10 : memref<128x128xf32, #tpu.memory_space<vmem>>)
        %add3A_102 = arith.constant 0 : i32
        %add3A_103 = arith.addi %mul3A_93, %add3A_102 : i32
        "tpu.region"() ({
          %run_scoped3A_134 = tpu.sem_alloc : memref<!tpu.dma_semaphore, #tpu.memory_space<semaphore_mem>>
          %dma_start3A_135 = arith.constant 0 : i32
          %dma_start3A_136 = tpu.memref_slice %arg9[%add3A_103, %dma_start3A_135] : memref<40x128xi32, #tpu.memory_space<vmem>> -> memref<1x128xi32, #tpu.memory_space<vmem>>
          %dma_start3A_137 = tpu.memref_squeeze %dma_start3A_136 : memref<1x128xi32, #tpu.memory_space<vmem>> -> memref<128xi32, #tpu.memory_space<vmem>>
          %dma_start3A_138 = arith.constant 0 : i32
          %dma_start3A_139 = arith.constant 0 : i32
          %dma_start3A_140 = tpu.memref_slice %arg14[%dma_start3A_138, %dma_start3A_139] : memref<10240x128xf32, #tpu.memory_space<vmem_shared>> -> memref<10240x128xf32, #tpu.memory_space<vmem_shared>>
          tpu.enqueue_indirect_dma source(%arg10 : memref<128x128xf32, #tpu.memory_space<vmem>>) target(%dma_start3A_140 : memref<10240x128xf32, #tpu.memory_space<vmem_shared>>) offsets(%dma_start3A_137 : memref<128xi32, #tpu.memory_space<vmem>>) semaphore(%run_scoped3A_134 : memref<!tpu.dma_semaphore, #tpu.memory_space<semaphore_mem>>) {add = true}
          %dma_wait3A_141 = arith.constant 0 : i32
          %dma_wait3A_142 = tpu.memref_slice %arg9[%add3A_103, %dma_wait3A_141] : memref<40x128xi32, #tpu.memory_space<vmem>> -> memref<1x128xi32, #tpu.memory_space<vmem>>
          %dma_wait3A_143 = tpu.memref_squeeze %dma_wait3A_142 : memref<1x128xi32, #tpu.memory_space<vmem>> -> memref<128xi32, #tpu.memory_space<vmem>>
          %dma_wait3A_144 = arith.constant 0 : i32
          %dma_wait3A_145 = arith.constant 0 : i32
          %dma_wait3A_146 = tpu.memref_slice %arg14[%dma_wait3A_144, %dma_wait3A_145] : memref<10240x128xf32, #tpu.memory_space<vmem_shared>> -> memref<10240x128xf32, #tpu.memory_space<vmem_shared>>
          tpu.wait_indirect_dma semaphore(%run_scoped3A_134 : memref<!tpu.dma_semaphore, #tpu.memory_space<semaphore_mem>>) src(%arg10 : memref<128x128xf32, #tpu.memory_space<vmem>>) dst(%dma_wait3A_146 : memref<10240x128xf32, #tpu.memory_space<vmem_shared>>)
          tpu.yield
        }) : () -> ()
        %add3A_104 = arith.constant 2 : i32
        %add3A_105 = arith.addi %mul3A_93, %add3A_104 : i32
        %add3A_106 = arith.constant 0 : i32
        %add3A_107 = arith.addi %add3A_105, %add3A_106 : i32
        %dma_start3A_108 = arith.constant 0 : i32
        %dma_start3A_109 = tpu.memref_slice %arg8[%add3A_107, %dma_start3A_108] : memref<40x128xi32, #tpu.memory_space<vmem>> -> memref<1x128xi32, #tpu.memory_space<vmem>>
        %dma_start3A_110 = tpu.memref_squeeze %dma_start3A_109 : memref<1x128xi32, #tpu.memory_space<vmem>> -> memref<128xi32, #tpu.memory_space<vmem>>
        %dma_start3A_111 = arith.constant 0 : i32
        %dma_start3A_112 = arith.constant 0 : i32
        %dma_start3A_113 = tpu.memref_slice %arg2[%dma_start3A_111, %dma_start3A_112] : memref<10240x128xf32, #tpu.memory_space<hbm>> -> memref<10240x128xf32, #tpu.memory_space<hbm>>
        tpu.enqueue_indirect_dma source(%dma_start3A_113 : memref<10240x128xf32, #tpu.memory_space<hbm>>) target(%arg10 : memref<128x128xf32, #tpu.memory_space<vmem>>) offsets(%dma_start3A_110 : memref<128xi32, #tpu.memory_space<vmem>>) semaphore(%arg12 : memref<!tpu.dma_semaphore, #tpu.memory_space<semaphore_mem>>)
        %add3A_114 = arith.constant 1 : i32
        %add3A_115 = arith.addi %mul3A_93, %add3A_114 : i32
        %dma_wait3A_116 = arith.constant 0 : i32
        %dma_wait3A_117 = tpu.memref_slice %arg8[%add3A_115, %dma_wait3A_116] : memref<40x128xi32, #tpu.memory_space<vmem>> -> memref<1x128xi32, #tpu.memory_space<vmem>>
        %dma_wait3A_118 = tpu.memref_squeeze %dma_wait3A_117 : memref<1x128xi32, #tpu.memory_space<vmem>> -> memref<128xi32, #tpu.memory_space<vmem>>
        %dma_wait3A_119 = arith.constant 0 : i32
        %dma_wait3A_120 = arith.constant 0 : i32
        %dma_wait3A_121 = tpu.memref_slice %arg2[%dma_wait3A_119, %dma_wait3A_120] : memref<10240x128xf32, #tpu.memory_space<hbm>> -> memref<10240x128xf32, #tpu.memory_space<hbm>>
        tpu.wait_indirect_dma semaphore(%arg13 : memref<!tpu.dma_semaphore, #tpu.memory_space<semaphore_mem>>) src(%dma_wait3A_121 : memref<10240x128xf32, #tpu.memory_space<hbm>>) dst(%arg11 : memref<128x128xf32, #tpu.memory_space<vmem>>)
        %add3A_122 = arith.constant 1 : i32
        %add3A_123 = arith.addi %mul3A_93, %add3A_122 : i32
        "tpu.region"() ({
          %run_scoped3A_134 = tpu.sem_alloc : memref<!tpu.dma_semaphore, #tpu.memory_space<semaphore_mem>>
          %dma_start3A_135 = arith.constant 0 : i32
          %dma_start3A_136 = tpu.memref_slice %arg9[%add3A_123, %dma_start3A_135] : memref<40x128xi32, #tpu.memory_space<vmem>> -> memref<1x128xi32, #tpu.memory_space<vmem>>
          %dma_start3A_137 = tpu.memref_squeeze %dma_start3A_136 : memref<1x128xi32, #tpu.memory_space<vmem>> -> memref<128xi32, #tpu.memory_space<vmem>>
          %dma_start3A_138 = arith.constant 0 : i32
          %dma_start3A_139 = arith.constant 0 : i32
          %dma_start3A_140 = tpu.memref_slice %arg14[%dma_start3A_138, %dma_start3A_139] : memref<10240x128xf32, #tpu.memory_space<vmem_shared>> -> memref<10240x128xf32, #tpu.memory_space<vmem_shared>>
          tpu.enqueue_indirect_dma source(%arg11 : memref<128x128xf32, #tpu.memory_space<vmem>>) target(%dma_start3A_140 : memref<10240x128xf32, #tpu.memory_space<vmem_shared>>) offsets(%dma_start3A_137 : memref<128xi32, #tpu.memory_space<vmem>>) semaphore(%run_scoped3A_134 : memref<!tpu.dma_semaphore, #tpu.memory_space<semaphore_mem>>) {add = true}
          %dma_wait3A_141 = arith.constant 0 : i32
          %dma_wait3A_142 = tpu.memref_slice %arg9[%add3A_123, %dma_wait3A_141] : memref<40x128xi32, #tpu.memory_space<vmem>> -> memref<1x128xi32, #tpu.memory_space<vmem>>
          %dma_wait3A_143 = tpu.memref_squeeze %dma_wait3A_142 : memref<1x128xi32, #tpu.memory_space<vmem>> -> memref<128xi32, #tpu.memory_space<vmem>>
          %dma_wait3A_144 = arith.constant 0 : i32
          %dma_wait3A_145 = arith.constant 0 : i32
          %dma_wait3A_146 = tpu.memref_slice %arg14[%dma_wait3A_144, %dma_wait3A_145] : memref<10240x128xf32, #tpu.memory_space<vmem_shared>> -> memref<10240x128xf32, #tpu.memory_space<vmem_shared>>
          tpu.wait_indirect_dma semaphore(%run_scoped3A_134 : memref<!tpu.dma_semaphore, #tpu.memory_space<semaphore_mem>>) src(%arg11 : memref<128x128xf32, #tpu.memory_space<vmem>>) dst(%dma_wait3A_146 : memref<10240x128xf32, #tpu.memory_space<vmem_shared>>)
          tpu.yield
        }) : () -> ()
        %add3A_124 = arith.constant 2 : i32
        %add3A_125 = arith.addi %mul3A_93, %add3A_124 : i32
        %add3A_126 = arith.constant 1 : i32
        %add3A_127 = arith.addi %add3A_125, %add3A_126 : i32
        %dma_start3A_128 = arith.constant 0 : i32
        %dma_start3A_129 = tpu.memref_slice %arg8[%add3A_127, %dma_start3A_128] : memref<40x128xi32, #tpu.memory_space<vmem>> -> memref<1x128xi32, #tpu.memory_space<vmem>>
        %dma_start3A_130 = tpu.memref_squeeze %dma_start3A_129 : memref<1x128xi32, #tpu.memory_space<vmem>> -> memref<128xi32, #tpu.memory_space<vmem>>
        %dma_start3A_131 = arith.constant 0 : i32
        %dma_start3A_132 = arith.constant 0 : i32
        %dma_start3A_133 = tpu.memref_slice %arg2[%dma_start3A_131, %dma_start3A_132] : memref<10240x128xf32, #tpu.memory_space<hbm>> -> memref<10240x128xf32, #tpu.memory_space<hbm>>
        tpu.enqueue_indirect_dma source(%dma_start3A_133 : memref<10240x128xf32, #tpu.memory_space<hbm>>) target(%arg11 : memref<128x128xf32, #tpu.memory_space<vmem>>) offsets(%dma_start3A_130 : memref<128xi32, #tpu.memory_space<vmem>>) semaphore(%arg13 : memref<!tpu.dma_semaphore, #tpu.memory_space<semaphore_mem>>)
      }
      %scan3A_68 = arith.constant 19 : i32
      %dma_wait3A_69 = arith.constant 38 : i32
      %dma_wait3A_70 = arith.constant 0 : i32
      %dma_wait3A_71 = tpu.memref_slice %arg8[%dma_wait3A_69, %dma_wait3A_70] : memref<40x128xi32, #tpu.memory_space<vmem>> -> memref<1x128xi32, #tpu.memory_space<vmem>>
      %dma_wait3A_72 = tpu.memref_squeeze %dma_wait3A_71 : memref<1x128xi32, #tpu.memory_space<vmem>> -> memref<128xi32, #tpu.memory_space<vmem>>
      %dma_wait3A_73 = arith.constant 0 : i32
      %dma_wait3A_74 = arith.constant 0 : i32
      %dma_wait3A_75 = tpu.memref_slice %arg2[%dma_wait3A_73, %dma_wait3A_74] : memref<10240x128xf32, #tpu.memory_space<hbm>> -> memref<10240x128xf32, #tpu.memory_space<hbm>>
      tpu.wait_indirect_dma semaphore(%arg12 : memref<!tpu.dma_semaphore, #tpu.memory_space<semaphore_mem>>) src(%dma_wait3A_75 : memref<10240x128xf32, #tpu.memory_space<hbm>>) dst(%arg10 : memref<128x128xf32, #tpu.memory_space<vmem>>)
      %run_scoped3A_76 = arith.constant 38 : i32
      "tpu.region"() ({
        %run_scoped3A_91 = tpu.sem_alloc : memref<!tpu.dma_semaphore, #tpu.memory_space<semaphore_mem>>
        %dma_start3A_92 = arith.constant 0 : i32
        %dma_start3A_93 = tpu.memref_slice %arg9[%run_scoped3A_76, %dma_start3A_92] : memref<40x128xi32, #tpu.memory_space<vmem>> -> memref<1x128xi32, #tpu.memory_space<vmem>>
        %dma_start3A_94 = tpu.memref_squeeze %dma_start3A_93 : memref<1x128xi32, #tpu.memory_space<vmem>> -> memref<128xi32, #tpu.memory_space<vmem>>
        %dma_start3A_95 = arith.constant 0 : i32
        %dma_start3A_96 = arith.constant 0 : i32
        %dma_start3A_97 = tpu.memref_slice %arg14[%dma_start3A_95, %dma_start3A_96] : memref<10240x128xf32, #tpu.memory_space<vmem_shared>> -> memref<10240x128xf32, #tpu.memory_space<vmem_shared>>
        tpu.enqueue_indirect_dma source(%arg10 : memref<128x128xf32, #tpu.memory_space<vmem>>) target(%dma_start3A_97 : memref<10240x128xf32, #tpu.memory_space<vmem_shared>>) offsets(%dma_start3A_94 : memref<128xi32, #tpu.memory_space<vmem>>) semaphore(%run_scoped3A_91 : memref<!tpu.dma_semaphore, #tpu.memory_space<semaphore_mem>>) {add = true}
        %dma_wait3A_98 = arith.constant 0 : i32
        %dma_wait3A_99 = tpu.memref_slice %arg9[%run_scoped3A_76, %dma_wait3A_98] : memref<40x128xi32, #tpu.memory_space<vmem>> -> memref<1x128xi32, #tpu.memory_space<vmem>>
        %dma_wait3A_100 = tpu.memref_squeeze %dma_wait3A_99 : memref<1x128xi32, #tpu.memory_space<vmem>> -> memref<128xi32, #tpu.memory_space<vmem>>
        %dma_wait3A_101 = arith.constant 0 : i32
        %dma_wait3A_102 = arith.constant 0 : i32
        %dma_wait3A_103 = tpu.memref_slice %arg14[%dma_wait3A_101, %dma_wait3A_102] : memref<10240x128xf32, #tpu.memory_space<vmem_shared>> -> memref<10240x128xf32, #tpu.memory_space<vmem_shared>>
        tpu.wait_indirect_dma semaphore(%run_scoped3A_91 : memref<!tpu.dma_semaphore, #tpu.memory_space<semaphore_mem>>) src(%arg10 : memref<128x128xf32, #tpu.memory_space<vmem>>) dst(%dma_wait3A_103 : memref<10240x128xf32, #tpu.memory_space<vmem_shared>>)
        tpu.yield
      }) : () -> ()
      %dma_wait3A_77 = arith.constant 39 : i32
      %dma_wait3A_78 = arith.constant 0 : i32
      %dma_wait3A_79 = tpu.memref_slice %arg8[%dma_wait3A_77, %dma_wait3A_78] : memref<40x128xi32, #tpu.memory_space<vmem>> -> memref<1x128xi32, #tpu.memory_space<vmem>>
      %dma_wait3A_80 = tpu.memref_squeeze %dma_wait3A_79 : memref<1x128xi32, #tpu.memory_space<vmem>> -> memref<128xi32, #tpu.memory_space<vmem>>
      %dma_wait3A_81 = arith.constant 0 : i32
      %dma_wait3A_82 = arith.constant 0 : i32
      %dma_wait3A_83 = tpu.memref_slice %arg2[%dma_wait3A_81, %dma_wait3A_82] : memref<10240x128xf32, #tpu.memory_space<hbm>> -> memref<10240x128xf32, #tpu.memory_space<hbm>>
      tpu.wait_indirect_dma semaphore(%arg13 : memref<!tpu.dma_semaphore, #tpu.memory_space<semaphore_mem>>) src(%dma_wait3A_83 : memref<10240x128xf32, #tpu.memory_space<hbm>>) dst(%arg11 : memref<128x128xf32, #tpu.memory_space<vmem>>)
      %run_scoped3A_84 = arith.constant 39 : i32
      "tpu.region"() ({
        %run_scoped3A_91 = tpu.sem_alloc : memref<!tpu.dma_semaphore, #tpu.memory_space<semaphore_mem>>
        %dma_start3A_92 = arith.constant 0 : i32
        %dma_start3A_93 = tpu.memref_slice %arg9[%run_scoped3A_84, %dma_start3A_92] : memref<40x128xi32, #tpu.memory_space<vmem>> -> memref<1x128xi32, #tpu.memory_space<vmem>>
        %dma_start3A_94 = tpu.memref_squeeze %dma_start3A_93 : memref<1x128xi32, #tpu.memory_space<vmem>> -> memref<128xi32, #tpu.memory_space<vmem>>
        %dma_start3A_95 = arith.constant 0 : i32
        %dma_start3A_96 = arith.constant 0 : i32
        %dma_start3A_97 = tpu.memref_slice %arg14[%dma_start3A_95, %dma_start3A_96] : memref<10240x128xf32, #tpu.memory_space<vmem_shared>> -> memref<10240x128xf32, #tpu.memory_space<vmem_shared>>
        tpu.enqueue_indirect_dma source(%arg11 : memref<128x128xf32, #tpu.memory_space<vmem>>) target(%dma_start3A_97 : memref<10240x128xf32, #tpu.memory_space<vmem_shared>>) offsets(%dma_start3A_94 : memref<128xi32, #tpu.memory_space<vmem>>) semaphore(%run_scoped3A_91 : memref<!tpu.dma_semaphore, #tpu.memory_space<semaphore_mem>>) {add = true}
        %dma_wait3A_98 = arith.constant 0 : i32
        %dma_wait3A_99 = tpu.memref_slice %arg9[%run_scoped3A_84, %dma_wait3A_98] : memref<40x128xi32, #tpu.memory_space<vmem>> -> memref<1x128xi32, #tpu.memory_space<vmem>>
        %dma_wait3A_100 = tpu.memref_squeeze %dma_wait3A_99 : memref<1x128xi32, #tpu.memory_space<vmem>> -> memref<128xi32, #tpu.memory_space<vmem>>
        %dma_wait3A_101 = arith.constant 0 : i32
        %dma_wait3A_102 = arith.constant 0 : i32
        %dma_wait3A_103 = tpu.memref_slice %arg14[%dma_wait3A_101, %dma_wait3A_102] : memref<10240x128xf32, #tpu.memory_space<vmem_shared>> -> memref<10240x128xf32, #tpu.memory_space<vmem_shared>>
        tpu.wait_indirect_dma semaphore(%run_scoped3A_91 : memref<!tpu.dma_semaphore, #tpu.memory_space<semaphore_mem>>) src(%arg11 : memref<128x128xf32, #tpu.memory_space<vmem>>) dst(%dma_wait3A_103 : memref<10240x128xf32, #tpu.memory_space<vmem_shared>>)
        tpu.yield
      }) : () -> ()
      %barrier3A_85 = arith.constant 0 : index
      tpu.barrier barrier_id(%barrier3A_85)
      %mul3A_86 = arith.constant 640 : i32
      %mul3A_87 = arith.muli %arg1, %mul3A_86 : i32
      %mul3A_88 = arith.constant 640 : i32
      %mul3A_89 = arith.muli %arg1, %mul3A_88 : i32
      %run_scoped3A_90 = arith.constant 0 : i32
      "tpu.region"() ({
        %run_scoped3A_91 = tpu.sem_alloc : memref<!tpu.dma_semaphore, #tpu.memory_space<semaphore_mem>>
        %dma_start3A_92 = arith.constant 0 : i32
        %dma_start3A_93 = arith.constant 0 : i32
        %dma_start3A_94 = tpu.memref_slice %arg7[%run_scoped3A_90, %dma_start3A_92, %dma_start3A_93] : memref<2x10240x128xf32, #tpu.memory_space<hbm>> -> memref<1x10240x128xf32, #tpu.memory_space<hbm>>
        %dma_start3A_95 = tpu.memref_squeeze %dma_start3A_94 : memref<1x10240x128xf32, #tpu.memory_space<hbm>> -> memref<10240x128xf32, #tpu.memory_space<hbm>>
        %dma_start3A_96 = arith.constant 0 : i32
        %dma_start3A_97 = tpu.memref_slice %dma_start3A_95[%mul3A_89, %dma_start3A_96] : memref<10240x128xf32, #tpu.memory_space<hbm>> -> memref<640x128xf32, #tpu.memory_space<hbm>>
        %dma_start3A_98 = arith.constant 0 : i32
        %dma_start3A_99 = tpu.memref_slice %arg14[%mul3A_87, %dma_start3A_98] : memref<10240x128xf32, #tpu.memory_space<vmem_shared>> -> memref<640x128xf32, #tpu.memory_space<vmem_shared>>
        tpu.enqueue_dma source(%dma_start3A_99 : memref<640x128xf32, #tpu.memory_space<vmem_shared>>) target(%dma_start3A_97 : memref<640x128xf32, #tpu.memory_space<hbm>>) target_semaphore(%run_scoped3A_91 : memref<!tpu.dma_semaphore, #tpu.memory_space<semaphore_mem>>)
        %dma_wait3A_100 = arith.constant 0 : i32
        %dma_wait3A_101 = arith.constant 0 : i32
        %dma_wait3A_102 = tpu.memref_slice %arg7[%run_scoped3A_90, %dma_wait3A_100, %dma_wait3A_101] : memref<2x10240x128xf32, #tpu.memory_space<hbm>> -> memref<1x10240x128xf32, #tpu.memory_space<hbm>>
        %dma_wait3A_103 = tpu.memref_squeeze %dma_wait3A_102 : memref<1x10240x128xf32, #tpu.memory_space<hbm>> -> memref<10240x128xf32, #tpu.memory_space<hbm>>
        %dma_wait3A_104 = arith.constant 0 : i32
        %dma_wait3A_105 = tpu.memref_slice %dma_wait3A_103[%mul3A_89, %dma_wait3A_104] : memref<10240x128xf32, #tpu.memory_space<hbm>> -> memref<640x128xf32, #tpu.memory_space<hbm>>
        %dma_wait3A_106 = arith.constant 0 : i32
        %dma_wait3A_107 = tpu.memref_slice %arg14[%mul3A_87, %dma_wait3A_106] : memref<10240x128xf32, #tpu.memory_space<vmem_shared>> -> memref<640x128xf32, #tpu.memory_space<vmem_shared>>
        tpu.wait_dma2 semaphore(%run_scoped3A_91 : memref<!tpu.dma_semaphore, #tpu.memory_space<semaphore_mem>>) src(%dma_wait3A_107 : memref<640x128xf32, #tpu.memory_space<vmem_shared>>) dst(%dma_wait3A_105 : memref<640x128xf32, #tpu.memory_space<hbm>>)
        tpu.yield
      }) : () -> ()
    } else {
    }
    %eq3A_2 = arith.constant 1 : i32
    %eq3A_3 = arith.cmpi eq, %arg0, %eq3A_2 : i32
    %convert_element_type3A_4 = arith.extui %eq3A_3 : i1 to i32
    %cond3A_5 = arith.constant 0 : i32
    %cond3A_6 = arith.cmpi ne, %convert_element_type3A_4, %cond3A_5 : i32
    scf.if %cond3A_6 {
      %mul3A = arith.constant 80 : i32
      %mul3A_7 = arith.muli %arg1, %mul3A : i32
      %add3A = arith.constant 0 : i32
      %add3A_8 = arith.addi %mul3A_7, %add3A : i32
      "tpu.region"() ({
        %run_scoped3A_91 = tpu.sem_alloc : memref<!tpu.dma_semaphore, #tpu.memory_space<semaphore_mem>>
        %dma_start3A_92 = arith.constant 0 : i32
        %dma_start3A_93 = tpu.memref_slice %arg4[%add3A_8, %dma_start3A_92] : memref<1280x128xi32, #tpu.memory_space<hbm>> -> memref<40x128xi32, #tpu.memory_space<hbm>>
        %dma_start3A_94 = arith.constant 0 : i32
        %dma_start3A_95 = tpu.memref_slice %arg4[%add3A_8, %dma_start3A_94] : memref<1280x128xi32, #tpu.memory_space<hbm>> -> memref<40x128xi32, #tpu.memory_space<hbm>>
        tpu.enqueue_dma source(%dma_start3A_95 : memref<40x128xi32, #tpu.memory_space<hbm>>) target(%arg8 : memref<40x128xi32, #tpu.memory_space<vmem>>) target_semaphore(%run_scoped3A_91 : memref<!tpu.dma_semaphore, #tpu.memory_space<semaphore_mem>>)
        %dma_wait3A_96 = arith.constant 0 : i32
        %dma_wait3A_97 = tpu.memref_slice %arg4[%add3A_8, %dma_wait3A_96] : memref<1280x128xi32, #tpu.memory_space<hbm>> -> memref<40x128xi32, #tpu.memory_space<hbm>>
        %dma_wait3A_98 = arith.constant 0 : i32
        %dma_wait3A_99 = tpu.memref_slice %arg4[%add3A_8, %dma_wait3A_98] : memref<1280x128xi32, #tpu.memory_space<hbm>> -> memref<40x128xi32, #tpu.memory_space<hbm>>
        tpu.wait_dma2 semaphore(%run_scoped3A_91 : memref<!tpu.dma_semaphore, #tpu.memory_space<semaphore_mem>>) src(%dma_wait3A_99 : memref<40x128xi32, #tpu.memory_space<hbm>>) dst(%arg8 : memref<40x128xi32, #tpu.memory_space<vmem>>)
        tpu.yield
      }) : () -> ()
      "tpu.region"() ({
        %run_scoped3A_91 = tpu.sem_alloc : memref<!tpu.dma_semaphore, #tpu.memory_space<semaphore_mem>>
        %dma_start3A_92 = arith.constant 0 : i32
        %dma_start3A_93 = tpu.memref_slice %arg5[%add3A_8, %dma_start3A_92] : memref<1280x128xi32, #tpu.memory_space<hbm>> -> memref<40x128xi32, #tpu.memory_space<hbm>>
        %dma_start3A_94 = arith.constant 0 : i32
        %dma_start3A_95 = tpu.memref_slice %arg5[%add3A_8, %dma_start3A_94] : memref<1280x128xi32, #tpu.memory_space<hbm>> -> memref<40x128xi32, #tpu.memory_space<hbm>>
        tpu.enqueue_dma source(%dma_start3A_95 : memref<40x128xi32, #tpu.memory_space<hbm>>) target(%arg9 : memref<40x128xi32, #tpu.memory_space<vmem>>) target_semaphore(%run_scoped3A_91 : memref<!tpu.dma_semaphore, #tpu.memory_space<semaphore_mem>>)
        %dma_wait3A_96 = arith.constant 0 : i32
        %dma_wait3A_97 = tpu.memref_slice %arg5[%add3A_8, %dma_wait3A_96] : memref<1280x128xi32, #tpu.memory_space<hbm>> -> memref<40x128xi32, #tpu.memory_space<hbm>>
        %dma_wait3A_98 = arith.constant 0 : i32
        %dma_wait3A_99 = tpu.memref_slice %arg5[%add3A_8, %dma_wait3A_98] : memref<1280x128xi32, #tpu.memory_space<hbm>> -> memref<40x128xi32, #tpu.memory_space<hbm>>
        tpu.wait_dma2 semaphore(%run_scoped3A_91 : memref<!tpu.dma_semaphore, #tpu.memory_space<semaphore_mem>>) src(%dma_wait3A_99 : memref<40x128xi32, #tpu.memory_space<hbm>>) dst(%arg9 : memref<40x128xi32, #tpu.memory_space<vmem>>)
        tpu.yield
      }) : () -> ()
      %dma_start3A = arith.constant 0 : i32
      %dma_start3A_9 = arith.constant 0 : i32
      %dma_start3A_10 = tpu.memref_slice %arg8[%dma_start3A, %dma_start3A_9] : memref<40x128xi32, #tpu.memory_space<vmem>> -> memref<1x128xi32, #tpu.memory_space<vmem>>
      %dma_start3A_11 = tpu.memref_squeeze %dma_start3A_10 : memref<1x128xi32, #tpu.memory_space<vmem>> -> memref<128xi32, #tpu.memory_space<vmem>>
      %dma_start3A_12 = arith.constant 0 : i32
      %dma_start3A_13 = arith.constant 0 : i32
      %dma_start3A_14 = tpu.memref_slice %arg3[%dma_start3A_12, %dma_start3A_13] : memref<10240x128xf32, #tpu.memory_space<hbm>> -> memref<10240x128xf32, #tpu.memory_space<hbm>>
      tpu.enqueue_indirect_dma source(%dma_start3A_14 : memref<10240x128xf32, #tpu.memory_space<hbm>>) target(%arg10 : memref<128x128xf32, #tpu.memory_space<vmem>>) offsets(%dma_start3A_11 : memref<128xi32, #tpu.memory_space<vmem>>) semaphore(%arg12 : memref<!tpu.dma_semaphore, #tpu.memory_space<semaphore_mem>>)
      %dma_start3A_15 = arith.constant 1 : i32
      %dma_start3A_16 = arith.constant 0 : i32
      %dma_start3A_17 = tpu.memref_slice %arg8[%dma_start3A_15, %dma_start3A_16] : memref<40x128xi32, #tpu.memory_space<vmem>> -> memref<1x128xi32, #tpu.memory_space<vmem>>
      %dma_start3A_18 = tpu.memref_squeeze %dma_start3A_17 : memref<1x128xi32, #tpu.memory_space<vmem>> -> memref<128xi32, #tpu.memory_space<vmem>>
      %dma_start3A_19 = arith.constant 0 : i32
      %dma_start3A_20 = arith.constant 0 : i32
      %dma_start3A_21 = tpu.memref_slice %arg3[%dma_start3A_19, %dma_start3A_20] : memref<10240x128xf32, #tpu.memory_space<hbm>> -> memref<10240x128xf32, #tpu.memory_space<hbm>>
      tpu.enqueue_indirect_dma source(%dma_start3A_21 : memref<10240x128xf32, #tpu.memory_space<hbm>>) target(%arg11 : memref<128x128xf32, #tpu.memory_space<vmem>>) offsets(%dma_start3A_18 : memref<128xi32, #tpu.memory_space<vmem>>) semaphore(%arg13 : memref<!tpu.dma_semaphore, #tpu.memory_space<semaphore_mem>>)
      %mul3A_22 = arith.constant 640 : i32
      %mul3A_23 = arith.muli %arg1, %mul3A_22 : i32
      %mul3A_24 = arith.constant 640 : i32
      %mul3A_25 = arith.muli %arg1, %mul3A_24 : i32
      "tpu.region"() ({
        %run_scoped3A_91 = tpu.sem_alloc : memref<!tpu.dma_semaphore, #tpu.memory_space<semaphore_mem>>
        %dma_start3A_92 = arith.constant 0 : i32
        %dma_start3A_93 = tpu.memref_slice %arg14[%mul3A_25, %dma_start3A_92] : memref<10240x128xf32, #tpu.memory_space<vmem_shared>> -> memref<640x128xf32, #tpu.memory_space<vmem_shared>>
        %dma_start3A_94 = arith.constant 0 : i32
        %dma_start3A_95 = tpu.memref_slice %arg6[%mul3A_23, %dma_start3A_94] : memref<10240x128xf32, #tpu.memory_space<hbm>> -> memref<640x128xf32, #tpu.memory_space<hbm>>
        tpu.enqueue_dma source(%dma_start3A_95 : memref<640x128xf32, #tpu.memory_space<hbm>>) target(%dma_start3A_93 : memref<640x128xf32, #tpu.memory_space<vmem_shared>>) target_semaphore(%run_scoped3A_91 : memref<!tpu.dma_semaphore, #tpu.memory_space<semaphore_mem>>)
        %dma_wait3A_96 = arith.constant 0 : i32
        %dma_wait3A_97 = tpu.memref_slice %arg14[%mul3A_25, %dma_wait3A_96] : memref<10240x128xf32, #tpu.memory_space<vmem_shared>> -> memref<640x128xf32, #tpu.memory_space<vmem_shared>>
        %dma_wait3A_98 = arith.constant 0 : i32
        %dma_wait3A_99 = tpu.memref_slice %arg6[%mul3A_23, %dma_wait3A_98] : memref<10240x128xf32, #tpu.memory_space<hbm>> -> memref<640x128xf32, #tpu.memory_space<hbm>>
        tpu.wait_dma2 semaphore(%run_scoped3A_91 : memref<!tpu.dma_semaphore, #tpu.memory_space<semaphore_mem>>) src(%dma_wait3A_99 : memref<640x128xf32, #tpu.memory_space<hbm>>) dst(%dma_wait3A_97 : memref<640x128xf32, #tpu.memory_space<vmem_shared>>)
        tpu.yield
      }) : () -> ()
      %barrier3A = arith.constant 0 : index
      tpu.barrier barrier_id(%barrier3A)
      %scan3A = arith.constant 0 : i32
      %scan3A_26 = arith.constant 0 : i32
      %scan3A_27 = arith.constant 19 : i32
      %scan3A_28 = arith.addi %scan3A_26, %scan3A_27 : i32
      %scan3A_29 = arith.constant 1 : i32
      scf.for %scan3A_91 = %scan3A_26 to %scan3A_28 step %scan3A_29  : i32 {
        %mul3A_92 = arith.constant 2 : i32
        %mul3A_93 = arith.muli %scan3A_91, %mul3A_92 : i32
        %add3A_94 = arith.constant 0 : i32
        %add3A_95 = arith.addi %mul3A_93, %add3A_94 : i32
        %dma_wait3A_96 = arith.constant 0 : i32
        %dma_wait3A_97 = tpu.memref_slice %arg8[%add3A_95, %dma_wait3A_96] : memref<40x128xi32, #tpu.memory_space<vmem>> -> memref<1x128xi32, #tpu.memory_space<vmem>>
        %dma_wait3A_98 = tpu.memref_squeeze %dma_wait3A_97 : memref<1x128xi32, #tpu.memory_space<vmem>> -> memref<128xi32, #tpu.memory_space<vmem>>
        %dma_wait3A_99 = arith.constant 0 : i32
        %dma_wait3A_100 = arith.constant 0 : i32
        %dma_wait3A_101 = tpu.memref_slice %arg3[%dma_wait3A_99, %dma_wait3A_100] : memref<10240x128xf32, #tpu.memory_space<hbm>> -> memref<10240x128xf32, #tpu.memory_space<hbm>>
        tpu.wait_indirect_dma semaphore(%arg12 : memref<!tpu.dma_semaphore, #tpu.memory_space<semaphore_mem>>) src(%dma_wait3A_101 : memref<10240x128xf32, #tpu.memory_space<hbm>>) dst(%arg10 : memref<128x128xf32, #tpu.memory_space<vmem>>)
        %add3A_102 = arith.constant 0 : i32
        %add3A_103 = arith.addi %mul3A_93, %add3A_102 : i32
        "tpu.region"() ({
          %run_scoped3A_134 = tpu.sem_alloc : memref<!tpu.dma_semaphore, #tpu.memory_space<semaphore_mem>>
          %dma_start3A_135 = arith.constant 0 : i32
          %dma_start3A_136 = tpu.memref_slice %arg9[%add3A_103, %dma_start3A_135] : memref<40x128xi32, #tpu.memory_space<vmem>> -> memref<1x128xi32, #tpu.memory_space<vmem>>
          %dma_start3A_137 = tpu.memref_squeeze %dma_start3A_136 : memref<1x128xi32, #tpu.memory_space<vmem>> -> memref<128xi32, #tpu.memory_space<vmem>>
          %dma_start3A_138 = arith.constant 0 : i32
          %dma_start3A_139 = arith.constant 0 : i32
          %dma_start3A_140 = tpu.memref_slice %arg14[%dma_start3A_138, %dma_start3A_139] : memref<10240x128xf32, #tpu.memory_space<vmem_shared>> -> memref<10240x128xf32, #tpu.memory_space<vmem_shared>>
          tpu.enqueue_indirect_dma source(%arg10 : memref<128x128xf32, #tpu.memory_space<vmem>>) target(%dma_start3A_140 : memref<10240x128xf32, #tpu.memory_space<vmem_shared>>) offsets(%dma_start3A_137 : memref<128xi32, #tpu.memory_space<vmem>>) semaphore(%run_scoped3A_134 : memref<!tpu.dma_semaphore, #tpu.memory_space<semaphore_mem>>) {add = true}
          %dma_wait3A_141 = arith.constant 0 : i32
          %dma_wait3A_142 = tpu.memref_slice %arg9[%add3A_103, %dma_wait3A_141] : memref<40x128xi32, #tpu.memory_space<vmem>> -> memref<1x128xi32, #tpu.memory_space<vmem>>
          %dma_wait3A_143 = tpu.memref_squeeze %dma_wait3A_142 : memref<1x128xi32, #tpu.memory_space<vmem>> -> memref<128xi32, #tpu.memory_space<vmem>>
          %dma_wait3A_144 = arith.constant 0 : i32
          %dma_wait3A_145 = arith.constant 0 : i32
          %dma_wait3A_146 = tpu.memref_slice %arg14[%dma_wait3A_144, %dma_wait3A_145] : memref<10240x128xf32, #tpu.memory_space<vmem_shared>> -> memref<10240x128xf32, #tpu.memory_space<vmem_shared>>
          tpu.wait_indirect_dma semaphore(%run_scoped3A_134 : memref<!tpu.dma_semaphore, #tpu.memory_space<semaphore_mem>>) src(%arg10 : memref<128x128xf32, #tpu.memory_space<vmem>>) dst(%dma_wait3A_146 : memref<10240x128xf32, #tpu.memory_space<vmem_shared>>)
          tpu.yield
        }) : () -> ()
        %add3A_104 = arith.constant 2 : i32
        %add3A_105 = arith.addi %mul3A_93, %add3A_104 : i32
        %add3A_106 = arith.constant 0 : i32
        %add3A_107 = arith.addi %add3A_105, %add3A_106 : i32
        %dma_start3A_108 = arith.constant 0 : i32
        %dma_start3A_109 = tpu.memref_slice %arg8[%add3A_107, %dma_start3A_108] : memref<40x128xi32, #tpu.memory_space<vmem>> -> memref<1x128xi32, #tpu.memory_space<vmem>>
        %dma_start3A_110 = tpu.memref_squeeze %dma_start3A_109 : memref<1x128xi32, #tpu.memory_space<vmem>> -> memref<128xi32, #tpu.memory_space<vmem>>
        %dma_start3A_111 = arith.constant 0 : i32
        %dma_start3A_112 = arith.constant 0 : i32
        %dma_start3A_113 = tpu.memref_slice %arg3[%dma_start3A_111, %dma_start3A_112] : memref<10240x128xf32, #tpu.memory_space<hbm>> -> memref<10240x128xf32, #tpu.memory_space<hbm>>
        tpu.enqueue_indirect_dma source(%dma_start3A_113 : memref<10240x128xf32, #tpu.memory_space<hbm>>) target(%arg10 : memref<128x128xf32, #tpu.memory_space<vmem>>) offsets(%dma_start3A_110 : memref<128xi32, #tpu.memory_space<vmem>>) semaphore(%arg12 : memref<!tpu.dma_semaphore, #tpu.memory_space<semaphore_mem>>)
        %add3A_114 = arith.constant 1 : i32
        %add3A_115 = arith.addi %mul3A_93, %add3A_114 : i32
        %dma_wait3A_116 = arith.constant 0 : i32
        %dma_wait3A_117 = tpu.memref_slice %arg8[%add3A_115, %dma_wait3A_116] : memref<40x128xi32, #tpu.memory_space<vmem>> -> memref<1x128xi32, #tpu.memory_space<vmem>>
        %dma_wait3A_118 = tpu.memref_squeeze %dma_wait3A_117 : memref<1x128xi32, #tpu.memory_space<vmem>> -> memref<128xi32, #tpu.memory_space<vmem>>
        %dma_wait3A_119 = arith.constant 0 : i32
        %dma_wait3A_120 = arith.constant 0 : i32
        %dma_wait3A_121 = tpu.memref_slice %arg3[%dma_wait3A_119, %dma_wait3A_120] : memref<10240x128xf32, #tpu.memory_space<hbm>> -> memref<10240x128xf32, #tpu.memory_space<hbm>>
        tpu.wait_indirect_dma semaphore(%arg13 : memref<!tpu.dma_semaphore, #tpu.memory_space<semaphore_mem>>) src(%dma_wait3A_121 : memref<10240x128xf32, #tpu.memory_space<hbm>>) dst(%arg11 : memref<128x128xf32, #tpu.memory_space<vmem>>)
        %add3A_122 = arith.constant 1 : i32
        %add3A_123 = arith.addi %mul3A_93, %add3A_122 : i32
        "tpu.region"() ({
          %run_scoped3A_134 = tpu.sem_alloc : memref<!tpu.dma_semaphore, #tpu.memory_space<semaphore_mem>>
          %dma_start3A_135 = arith.constant 0 : i32
          %dma_start3A_136 = tpu.memref_slice %arg9[%add3A_123, %dma_start3A_135] : memref<40x128xi32, #tpu.memory_space<vmem>> -> memref<1x128xi32, #tpu.memory_space<vmem>>
          %dma_start3A_137 = tpu.memref_squeeze %dma_start3A_136 : memref<1x128xi32, #tpu.memory_space<vmem>> -> memref<128xi32, #tpu.memory_space<vmem>>
          %dma_start3A_138 = arith.constant 0 : i32
          %dma_start3A_139 = arith.constant 0 : i32
          %dma_start3A_140 = tpu.memref_slice %arg14[%dma_start3A_138, %dma_start3A_139] : memref<10240x128xf32, #tpu.memory_space<vmem_shared>> -> memref<10240x128xf32, #tpu.memory_space<vmem_shared>>
          tpu.enqueue_indirect_dma source(%arg11 : memref<128x128xf32, #tpu.memory_space<vmem>>) target(%dma_start3A_140 : memref<10240x128xf32, #tpu.memory_space<vmem_shared>>) offsets(%dma_start3A_137 : memref<128xi32, #tpu.memory_space<vmem>>) semaphore(%run_scoped3A_134 : memref<!tpu.dma_semaphore, #tpu.memory_space<semaphore_mem>>) {add = true}
          %dma_wait3A_141 = arith.constant 0 : i32
          %dma_wait3A_142 = tpu.memref_slice %arg9[%add3A_123, %dma_wait3A_141] : memref<40x128xi32, #tpu.memory_space<vmem>> -> memref<1x128xi32, #tpu.memory_space<vmem>>
          %dma_wait3A_143 = tpu.memref_squeeze %dma_wait3A_142 : memref<1x128xi32, #tpu.memory_space<vmem>> -> memref<128xi32, #tpu.memory_space<vmem>>
          %dma_wait3A_144 = arith.constant 0 : i32
          %dma_wait3A_145 = arith.constant 0 : i32
          %dma_wait3A_146 = tpu.memref_slice %arg14[%dma_wait3A_144, %dma_wait3A_145] : memref<10240x128xf32, #tpu.memory_space<vmem_shared>> -> memref<10240x128xf32, #tpu.memory_space<vmem_shared>>
          tpu.wait_indirect_dma semaphore(%run_scoped3A_134 : memref<!tpu.dma_semaphore, #tpu.memory_space<semaphore_mem>>) src(%arg11 : memref<128x128xf32, #tpu.memory_space<vmem>>) dst(%dma_wait3A_146 : memref<10240x128xf32, #tpu.memory_space<vmem_shared>>)
          tpu.yield
        }) : () -> ()
        %add3A_124 = arith.constant 2 : i32
        %add3A_125 = arith.addi %mul3A_93, %add3A_124 : i32
        %add3A_126 = arith.constant 1 : i32
        %add3A_127 = arith.addi %add3A_125, %add3A_126 : i32
        %dma_start3A_128 = arith.constant 0 : i32
        %dma_start3A_129 = tpu.memref_slice %arg8[%add3A_127, %dma_start3A_128] : memref<40x128xi32, #tpu.memory_space<vmem>> -> memref<1x128xi32, #tpu.memory_space<vmem>>
        %dma_start3A_130 = tpu.memref_squeeze %dma_start3A_129 : memref<1x128xi32, #tpu.memory_space<vmem>> -> memref<128xi32, #tpu.memory_space<vmem>>
        %dma_start3A_131 = arith.constant 0 : i32
        %dma_start3A_132 = arith.constant 0 : i32
        %dma_start3A_133 = tpu.memref_slice %arg3[%dma_start3A_131, %dma_start3A_132] : memref<10240x128xf32, #tpu.memory_space<hbm>> -> memref<10240x128xf32, #tpu.memory_space<hbm>>
        tpu.enqueue_indirect_dma source(%dma_start3A_133 : memref<10240x128xf32, #tpu.memory_space<hbm>>) target(%arg11 : memref<128x128xf32, #tpu.memory_space<vmem>>) offsets(%dma_start3A_130 : memref<128xi32, #tpu.memory_space<vmem>>) semaphore(%arg13 : memref<!tpu.dma_semaphore, #tpu.memory_space<semaphore_mem>>)
      }
      %scan3A_30 = arith.constant 19 : i32
      %dma_wait3A = arith.constant 38 : i32
      %dma_wait3A_31 = arith.constant 0 : i32
      %dma_wait3A_32 = tpu.memref_slice %arg8[%dma_wait3A, %dma_wait3A_31] : memref<40x128xi32, #tpu.memory_space<vmem>> -> memref<1x128xi32, #tpu.memory_space<vmem>>
      %dma_wait3A_33 = tpu.memref_squeeze %dma_wait3A_32 : memref<1x128xi32, #tpu.memory_space<vmem>> -> memref<128xi32, #tpu.memory_space<vmem>>
      %dma_wait3A_34 = arith.constant 0 : i32
      %dma_wait3A_35 = arith.constant 0 : i32
      %dma_wait3A_36 = tpu.memref_slice %arg3[%dma_wait3A_34, %dma_wait3A_35] : memref<10240x128xf32, #tpu.memory_space<hbm>> -> memref<10240x128xf32, #tpu.memory_space<hbm>>
      tpu.wait_indirect_dma semaphore(%arg12 : memref<!tpu.dma_semaphore, #tpu.memory_space<semaphore_mem>>) src(%dma_wait3A_36 : memref<10240x128xf32, #tpu.memory_space<hbm>>) dst(%arg10 : memref<128x128xf32, #tpu.memory_space<vmem>>)
      %run_scoped3A = arith.constant 38 : i32
      "tpu.region"() ({
        %run_scoped3A_91 = tpu.sem_alloc : memref<!tpu.dma_semaphore, #tpu.memory_space<semaphore_mem>>
        %dma_start3A_92 = arith.constant 0 : i32
        %dma_start3A_93 = tpu.memref_slice %arg9[%run_scoped3A, %dma_start3A_92] : memref<40x128xi32, #tpu.memory_space<vmem>> -> memref<1x128xi32, #tpu.memory_space<vmem>>
        %dma_start3A_94 = tpu.memref_squeeze %dma_start3A_93 : memref<1x128xi32, #tpu.memory_space<vmem>> -> memref<128xi32, #tpu.memory_space<vmem>>
        %dma_start3A_95 = arith.constant 0 : i32
        %dma_start3A_96 = arith.constant 0 : i32
        %dma_start3A_97 = tpu.memref_slice %arg14[%dma_start3A_95, %dma_start3A_96] : memref<10240x128xf32, #tpu.memory_space<vmem_shared>> -> memref<10240x128xf32, #tpu.memory_space<vmem_shared>>
        tpu.enqueue_indirect_dma source(%arg10 : memref<128x128xf32, #tpu.memory_space<vmem>>) target(%dma_start3A_97 : memref<10240x128xf32, #tpu.memory_space<vmem_shared>>) offsets(%dma_start3A_94 : memref<128xi32, #tpu.memory_space<vmem>>) semaphore(%run_scoped3A_91 : memref<!tpu.dma_semaphore, #tpu.memory_space<semaphore_mem>>) {add = true}
        %dma_wait3A_98 = arith.constant 0 : i32
        %dma_wait3A_99 = tpu.memref_slice %arg9[%run_scoped3A, %dma_wait3A_98] : memref<40x128xi32, #tpu.memory_space<vmem>> -> memref<1x128xi32, #tpu.memory_space<vmem>>
        %dma_wait3A_100 = tpu.memref_squeeze %dma_wait3A_99 : memref<1x128xi32, #tpu.memory_space<vmem>> -> memref<128xi32, #tpu.memory_space<vmem>>
        %dma_wait3A_101 = arith.constant 0 : i32
        %dma_wait3A_102 = arith.constant 0 : i32
        %dma_wait3A_103 = tpu.memref_slice %arg14[%dma_wait3A_101, %dma_wait3A_102] : memref<10240x128xf32, #tpu.memory_space<vmem_shared>> -> memref<10240x128xf32, #tpu.memory_space<vmem_shared>>
        tpu.wait_indirect_dma semaphore(%run_scoped3A_91 : memref<!tpu.dma_semaphore, #tpu.memory_space<semaphore_mem>>) src(%arg10 : memref<128x128xf32, #tpu.memory_space<vmem>>) dst(%dma_wait3A_103 : memref<10240x128xf32, #tpu.memory_space<vmem_shared>>)
        tpu.yield
      }) : () -> ()
      %dma_wait3A_37 = arith.constant 39 : i32
      %dma_wait3A_38 = arith.constant 0 : i32
      %dma_wait3A_39 = tpu.memref_slice %arg8[%dma_wait3A_37, %dma_wait3A_38] : memref<40x128xi32, #tpu.memory_space<vmem>> -> memref<1x128xi32, #tpu.memory_space<vmem>>
      %dma_wait3A_40 = tpu.memref_squeeze %dma_wait3A_39 : memref<1x128xi32, #tpu.memory_space<vmem>> -> memref<128xi32, #tpu.memory_space<vmem>>
      %dma_wait3A_41 = arith.constant 0 : i32
      %dma_wait3A_42 = arith.constant 0 : i32
      %dma_wait3A_43 = tpu.memref_slice %arg3[%dma_wait3A_41, %dma_wait3A_42] : memref<10240x128xf32, #tpu.memory_space<hbm>> -> memref<10240x128xf32, #tpu.memory_space<hbm>>
      tpu.wait_indirect_dma semaphore(%arg13 : memref<!tpu.dma_semaphore, #tpu.memory_space<semaphore_mem>>) src(%dma_wait3A_43 : memref<10240x128xf32, #tpu.memory_space<hbm>>) dst(%arg11 : memref<128x128xf32, #tpu.memory_space<vmem>>)
      %run_scoped3A_44 = arith.constant 39 : i32
      "tpu.region"() ({
        %run_scoped3A_91 = tpu.sem_alloc : memref<!tpu.dma_semaphore, #tpu.memory_space<semaphore_mem>>
        %dma_start3A_92 = arith.constant 0 : i32
        %dma_start3A_93 = tpu.memref_slice %arg9[%run_scoped3A_44, %dma_start3A_92] : memref<40x128xi32, #tpu.memory_space<vmem>> -> memref<1x128xi32, #tpu.memory_space<vmem>>
        %dma_start3A_94 = tpu.memref_squeeze %dma_start3A_93 : memref<1x128xi32, #tpu.memory_space<vmem>> -> memref<128xi32, #tpu.memory_space<vmem>>
        %dma_start3A_95 = arith.constant 0 : i32
        %dma_start3A_96 = arith.constant 0 : i32
        %dma_start3A_97 = tpu.memref_slice %arg14[%dma_start3A_95, %dma_start3A_96] : memref<10240x128xf32, #tpu.memory_space<vmem_shared>> -> memref<10240x128xf32, #tpu.memory_space<vmem_shared>>
        tpu.enqueue_indirect_dma source(%arg11 : memref<128x128xf32, #tpu.memory_space<vmem>>) target(%dma_start3A_97 : memref<10240x128xf32, #tpu.memory_space<vmem_shared>>) offsets(%dma_start3A_94 : memref<128xi32, #tpu.memory_space<vmem>>) semaphore(%run_scoped3A_91 : memref<!tpu.dma_semaphore, #tpu.memory_space<semaphore_mem>>) {add = true}
        %dma_wait3A_98 = arith.constant 0 : i32
        %dma_wait3A_99 = tpu.memref_slice %arg9[%run_scoped3A_44, %dma_wait3A_98] : memref<40x128xi32, #tpu.memory_space<vmem>> -> memref<1x128xi32, #tpu.memory_space<vmem>>
        %dma_wait3A_100 = tpu.memref_squeeze %dma_wait3A_99 : memref<1x128xi32, #tpu.memory_space<vmem>> -> memref<128xi32, #tpu.memory_space<vmem>>
        %dma_wait3A_101 = arith.constant 0 : i32
        %dma_wait3A_102 = arith.constant 0 : i32
        %dma_wait3A_103 = tpu.memref_slice %arg14[%dma_wait3A_101, %dma_wait3A_102] : memref<10240x128xf32, #tpu.memory_space<vmem_shared>> -> memref<10240x128xf32, #tpu.memory_space<vmem_shared>>
        tpu.wait_indirect_dma semaphore(%run_scoped3A_91 : memref<!tpu.dma_semaphore, #tpu.memory_space<semaphore_mem>>) src(%arg11 : memref<128x128xf32, #tpu.memory_space<vmem>>) dst(%dma_wait3A_103 : memref<10240x128xf32, #tpu.memory_space<vmem_shared>>)
        tpu.yield
      }) : () -> ()
      %mul3A_45 = arith.constant 80 : i32
      %mul3A_46 = arith.muli %arg1, %mul3A_45 : i32
      %add3A_47 = arith.constant 40 : i32
      %add3A_48 = arith.addi %mul3A_46, %add3A_47 : i32
      "tpu.region"() ({
        %run_scoped3A_91 = tpu.sem_alloc : memref<!tpu.dma_semaphore, #tpu.memory_space<semaphore_mem>>
        %dma_start3A_92 = arith.constant 0 : i32
        %dma_start3A_93 = tpu.memref_slice %arg4[%add3A_48, %dma_start3A_92] : memref<1280x128xi32, #tpu.memory_space<hbm>> -> memref<40x128xi32, #tpu.memory_space<hbm>>
        %dma_start3A_94 = arith.constant 0 : i32
        %dma_start3A_95 = tpu.memref_slice %arg4[%add3A_48, %dma_start3A_94] : memref<1280x128xi32, #tpu.memory_space<hbm>> -> memref<40x128xi32, #tpu.memory_space<hbm>>
        tpu.enqueue_dma source(%dma_start3A_95 : memref<40x128xi32, #tpu.memory_space<hbm>>) target(%arg8 : memref<40x128xi32, #tpu.memory_space<vmem>>) target_semaphore(%run_scoped3A_91 : memref<!tpu.dma_semaphore, #tpu.memory_space<semaphore_mem>>)
        %dma_wait3A_96 = arith.constant 0 : i32
        %dma_wait3A_97 = tpu.memref_slice %arg4[%add3A_48, %dma_wait3A_96] : memref<1280x128xi32, #tpu.memory_space<hbm>> -> memref<40x128xi32, #tpu.memory_space<hbm>>
        %dma_wait3A_98 = arith.constant 0 : i32
        %dma_wait3A_99 = tpu.memref_slice %arg4[%add3A_48, %dma_wait3A_98] : memref<1280x128xi32, #tpu.memory_space<hbm>> -> memref<40x128xi32, #tpu.memory_space<hbm>>
        tpu.wait_dma2 semaphore(%run_scoped3A_91 : memref<!tpu.dma_semaphore, #tpu.memory_space<semaphore_mem>>) src(%dma_wait3A_99 : memref<40x128xi32, #tpu.memory_space<hbm>>) dst(%arg8 : memref<40x128xi32, #tpu.memory_space<vmem>>)
        tpu.yield
      }) : () -> ()
      "tpu.region"() ({
        %run_scoped3A_91 = tpu.sem_alloc : memref<!tpu.dma_semaphore, #tpu.memory_space<semaphore_mem>>
        %dma_start3A_92 = arith.constant 0 : i32
        %dma_start3A_93 = tpu.memref_slice %arg5[%add3A_48, %dma_start3A_92] : memref<1280x128xi32, #tpu.memory_space<hbm>> -> memref<40x128xi32, #tpu.memory_space<hbm>>
        %dma_start3A_94 = arith.constant 0 : i32
        %dma_start3A_95 = tpu.memref_slice %arg5[%add3A_48, %dma_start3A_94] : memref<1280x128xi32, #tpu.memory_space<hbm>> -> memref<40x128xi32, #tpu.memory_space<hbm>>
        tpu.enqueue_dma source(%dma_start3A_95 : memref<40x128xi32, #tpu.memory_space<hbm>>) target(%arg9 : memref<40x128xi32, #tpu.memory_space<vmem>>) target_semaphore(%run_scoped3A_91 : memref<!tpu.dma_semaphore, #tpu.memory_space<semaphore_mem>>)
        %dma_wait3A_96 = arith.constant 0 : i32
        %dma_wait3A_97 = tpu.memref_slice %arg5[%add3A_48, %dma_wait3A_96] : memref<1280x128xi32, #tpu.memory_space<hbm>> -> memref<40x128xi32, #tpu.memory_space<hbm>>
        %dma_wait3A_98 = arith.constant 0 : i32
        %dma_wait3A_99 = tpu.memref_slice %arg5[%add3A_48, %dma_wait3A_98] : memref<1280x128xi32, #tpu.memory_space<hbm>> -> memref<40x128xi32, #tpu.memory_space<hbm>>
        tpu.wait_dma2 semaphore(%run_scoped3A_91 : memref<!tpu.dma_semaphore, #tpu.memory_space<semaphore_mem>>) src(%dma_wait3A_99 : memref<40x128xi32, #tpu.memory_space<hbm>>) dst(%arg9 : memref<40x128xi32, #tpu.memory_space<vmem>>)
        tpu.yield
      }) : () -> ()
      %dma_start3A_49 = arith.constant 0 : i32
      %dma_start3A_50 = arith.constant 0 : i32
      %dma_start3A_51 = tpu.memref_slice %arg8[%dma_start3A_49, %dma_start3A_50] : memref<40x128xi32, #tpu.memory_space<vmem>> -> memref<1x128xi32, #tpu.memory_space<vmem>>
      %dma_start3A_52 = tpu.memref_squeeze %dma_start3A_51 : memref<1x128xi32, #tpu.memory_space<vmem>> -> memref<128xi32, #tpu.memory_space<vmem>>
      %dma_start3A_53 = arith.constant 0 : i32
      %dma_start3A_54 = arith.constant 0 : i32
      %dma_start3A_55 = tpu.memref_slice %arg3[%dma_start3A_53, %dma_start3A_54] : memref<10240x128xf32, #tpu.memory_space<hbm>> -> memref<10240x128xf32, #tpu.memory_space<hbm>>
      tpu.enqueue_indirect_dma source(%dma_start3A_55 : memref<10240x128xf32, #tpu.memory_space<hbm>>) target(%arg10 : memref<128x128xf32, #tpu.memory_space<vmem>>) offsets(%dma_start3A_52 : memref<128xi32, #tpu.memory_space<vmem>>) semaphore(%arg12 : memref<!tpu.dma_semaphore, #tpu.memory_space<semaphore_mem>>)
      %dma_start3A_56 = arith.constant 1 : i32
      %dma_start3A_57 = arith.constant 0 : i32
      %dma_start3A_58 = tpu.memref_slice %arg8[%dma_start3A_56, %dma_start3A_57] : memref<40x128xi32, #tpu.memory_space<vmem>> -> memref<1x128xi32, #tpu.memory_space<vmem>>
      %dma_start3A_59 = tpu.memref_squeeze %dma_start3A_58 : memref<1x128xi32, #tpu.memory_space<vmem>> -> memref<128xi32, #tpu.memory_space<vmem>>
      %dma_start3A_60 = arith.constant 0 : i32
      %dma_start3A_61 = arith.constant 0 : i32
      %dma_start3A_62 = tpu.memref_slice %arg3[%dma_start3A_60, %dma_start3A_61] : memref<10240x128xf32, #tpu.memory_space<hbm>> -> memref<10240x128xf32, #tpu.memory_space<hbm>>
      tpu.enqueue_indirect_dma source(%dma_start3A_62 : memref<10240x128xf32, #tpu.memory_space<hbm>>) target(%arg11 : memref<128x128xf32, #tpu.memory_space<vmem>>) offsets(%dma_start3A_59 : memref<128xi32, #tpu.memory_space<vmem>>) semaphore(%arg13 : memref<!tpu.dma_semaphore, #tpu.memory_space<semaphore_mem>>)
      %scan3A_63 = arith.constant 0 : i32
      %scan3A_64 = arith.constant 0 : i32
      %scan3A_65 = arith.constant 19 : i32
      %scan3A_66 = arith.addi %scan3A_64, %scan3A_65 : i32
      %scan3A_67 = arith.constant 1 : i32
      scf.for %scan3A_91 = %scan3A_64 to %scan3A_66 step %scan3A_67  : i32 {
        %mul3A_92 = arith.constant 2 : i32
        %mul3A_93 = arith.muli %scan3A_91, %mul3A_92 : i32
        %add3A_94 = arith.constant 0 : i32
        %add3A_95 = arith.addi %mul3A_93, %add3A_94 : i32
        %dma_wait3A_96 = arith.constant 0 : i32
        %dma_wait3A_97 = tpu.memref_slice %arg8[%add3A_95, %dma_wait3A_96] : memref<40x128xi32, #tpu.memory_space<vmem>> -> memref<1x128xi32, #tpu.memory_space<vmem>>
        %dma_wait3A_98 = tpu.memref_squeeze %dma_wait3A_97 : memref<1x128xi32, #tpu.memory_space<vmem>> -> memref<128xi32, #tpu.memory_space<vmem>>
        %dma_wait3A_99 = arith.constant 0 : i32
        %dma_wait3A_100 = arith.constant 0 : i32
        %dma_wait3A_101 = tpu.memref_slice %arg3[%dma_wait3A_99, %dma_wait3A_100] : memref<10240x128xf32, #tpu.memory_space<hbm>> -> memref<10240x128xf32, #tpu.memory_space<hbm>>
        tpu.wait_indirect_dma semaphore(%arg12 : memref<!tpu.dma_semaphore, #tpu.memory_space<semaphore_mem>>) src(%dma_wait3A_101 : memref<10240x128xf32, #tpu.memory_space<hbm>>) dst(%arg10 : memref<128x128xf32, #tpu.memory_space<vmem>>)
        %add3A_102 = arith.constant 0 : i32
        %add3A_103 = arith.addi %mul3A_93, %add3A_102 : i32
        "tpu.region"() ({
          %run_scoped3A_134 = tpu.sem_alloc : memref<!tpu.dma_semaphore, #tpu.memory_space<semaphore_mem>>
          %dma_start3A_135 = arith.constant 0 : i32
          %dma_start3A_136 = tpu.memref_slice %arg9[%add3A_103, %dma_start3A_135] : memref<40x128xi32, #tpu.memory_space<vmem>> -> memref<1x128xi32, #tpu.memory_space<vmem>>
          %dma_start3A_137 = tpu.memref_squeeze %dma_start3A_136 : memref<1x128xi32, #tpu.memory_space<vmem>> -> memref<128xi32, #tpu.memory_space<vmem>>
          %dma_start3A_138 = arith.constant 0 : i32
          %dma_start3A_139 = arith.constant 0 : i32
          %dma_start3A_140 = tpu.memref_slice %arg14[%dma_start3A_138, %dma_start3A_139] : memref<10240x128xf32, #tpu.memory_space<vmem_shared>> -> memref<10240x128xf32, #tpu.memory_space<vmem_shared>>
          tpu.enqueue_indirect_dma source(%arg10 : memref<128x128xf32, #tpu.memory_space<vmem>>) target(%dma_start3A_140 : memref<10240x128xf32, #tpu.memory_space<vmem_shared>>) offsets(%dma_start3A_137 : memref<128xi32, #tpu.memory_space<vmem>>) semaphore(%run_scoped3A_134 : memref<!tpu.dma_semaphore, #tpu.memory_space<semaphore_mem>>) {add = true}
          %dma_wait3A_141 = arith.constant 0 : i32
          %dma_wait3A_142 = tpu.memref_slice %arg9[%add3A_103, %dma_wait3A_141] : memref<40x128xi32, #tpu.memory_space<vmem>> -> memref<1x128xi32, #tpu.memory_space<vmem>>
          %dma_wait3A_143 = tpu.memref_squeeze %dma_wait3A_142 : memref<1x128xi32, #tpu.memory_space<vmem>> -> memref<128xi32, #tpu.memory_space<vmem>>
          %dma_wait3A_144 = arith.constant 0 : i32
          %dma_wait3A_145 = arith.constant 0 : i32
          %dma_wait3A_146 = tpu.memref_slice %arg14[%dma_wait3A_144, %dma_wait3A_145] : memref<10240x128xf32, #tpu.memory_space<vmem_shared>> -> memref<10240x128xf32, #tpu.memory_space<vmem_shared>>
          tpu.wait_indirect_dma semaphore(%run_scoped3A_134 : memref<!tpu.dma_semaphore, #tpu.memory_space<semaphore_mem>>) src(%arg10 : memref<128x128xf32, #tpu.memory_space<vmem>>) dst(%dma_wait3A_146 : memref<10240x128xf32, #tpu.memory_space<vmem_shared>>)
          tpu.yield
        }) : () -> ()
        %add3A_104 = arith.constant 2 : i32
        %add3A_105 = arith.addi %mul3A_93, %add3A_104 : i32
        %add3A_106 = arith.constant 0 : i32
        %add3A_107 = arith.addi %add3A_105, %add3A_106 : i32
        %dma_start3A_108 = arith.constant 0 : i32
        %dma_start3A_109 = tpu.memref_slice %arg8[%add3A_107, %dma_start3A_108] : memref<40x128xi32, #tpu.memory_space<vmem>> -> memref<1x128xi32, #tpu.memory_space<vmem>>
        %dma_start3A_110 = tpu.memref_squeeze %dma_start3A_109 : memref<1x128xi32, #tpu.memory_space<vmem>> -> memref<128xi32, #tpu.memory_space<vmem>>
        %dma_start3A_111 = arith.constant 0 : i32
        %dma_start3A_112 = arith.constant 0 : i32
        %dma_start3A_113 = tpu.memref_slice %arg3[%dma_start3A_111, %dma_start3A_112] : memref<10240x128xf32, #tpu.memory_space<hbm>> -> memref<10240x128xf32, #tpu.memory_space<hbm>>
        tpu.enqueue_indirect_dma source(%dma_start3A_113 : memref<10240x128xf32, #tpu.memory_space<hbm>>) target(%arg10 : memref<128x128xf32, #tpu.memory_space<vmem>>) offsets(%dma_start3A_110 : memref<128xi32, #tpu.memory_space<vmem>>) semaphore(%arg12 : memref<!tpu.dma_semaphore, #tpu.memory_space<semaphore_mem>>)
        %add3A_114 = arith.constant 1 : i32
        %add3A_115 = arith.addi %mul3A_93, %add3A_114 : i32
        %dma_wait3A_116 = arith.constant 0 : i32
        %dma_wait3A_117 = tpu.memref_slice %arg8[%add3A_115, %dma_wait3A_116] : memref<40x128xi32, #tpu.memory_space<vmem>> -> memref<1x128xi32, #tpu.memory_space<vmem>>
        %dma_wait3A_118 = tpu.memref_squeeze %dma_wait3A_117 : memref<1x128xi32, #tpu.memory_space<vmem>> -> memref<128xi32, #tpu.memory_space<vmem>>
        %dma_wait3A_119 = arith.constant 0 : i32
        %dma_wait3A_120 = arith.constant 0 : i32
        %dma_wait3A_121 = tpu.memref_slice %arg3[%dma_wait3A_119, %dma_wait3A_120] : memref<10240x128xf32, #tpu.memory_space<hbm>> -> memref<10240x128xf32, #tpu.memory_space<hbm>>
        tpu.wait_indirect_dma semaphore(%arg13 : memref<!tpu.dma_semaphore, #tpu.memory_space<semaphore_mem>>) src(%dma_wait3A_121 : memref<10240x128xf32, #tpu.memory_space<hbm>>) dst(%arg11 : memref<128x128xf32, #tpu.memory_space<vmem>>)
        %add3A_122 = arith.constant 1 : i32
        %add3A_123 = arith.addi %mul3A_93, %add3A_122 : i32
        "tpu.region"() ({
          %run_scoped3A_134 = tpu.sem_alloc : memref<!tpu.dma_semaphore, #tpu.memory_space<semaphore_mem>>
          %dma_start3A_135 = arith.constant 0 : i32
          %dma_start3A_136 = tpu.memref_slice %arg9[%add3A_123, %dma_start3A_135] : memref<40x128xi32, #tpu.memory_space<vmem>> -> memref<1x128xi32, #tpu.memory_space<vmem>>
          %dma_start3A_137 = tpu.memref_squeeze %dma_start3A_136 : memref<1x128xi32, #tpu.memory_space<vmem>> -> memref<128xi32, #tpu.memory_space<vmem>>
          %dma_start3A_138 = arith.constant 0 : i32
          %dma_start3A_139 = arith.constant 0 : i32
          %dma_start3A_140 = tpu.memref_slice %arg14[%dma_start3A_138, %dma_start3A_139] : memref<10240x128xf32, #tpu.memory_space<vmem_shared>> -> memref<10240x128xf32, #tpu.memory_space<vmem_shared>>
          tpu.enqueue_indirect_dma source(%arg11 : memref<128x128xf32, #tpu.memory_space<vmem>>) target(%dma_start3A_140 : memref<10240x128xf32, #tpu.memory_space<vmem_shared>>) offsets(%dma_start3A_137 : memref<128xi32, #tpu.memory_space<vmem>>) semaphore(%run_scoped3A_134 : memref<!tpu.dma_semaphore, #tpu.memory_space<semaphore_mem>>) {add = true}
          %dma_wait3A_141 = arith.constant 0 : i32
          %dma_wait3A_142 = tpu.memref_slice %arg9[%add3A_123, %dma_wait3A_141] : memref<40x128xi32, #tpu.memory_space<vmem>> -> memref<1x128xi32, #tpu.memory_space<vmem>>
          %dma_wait3A_143 = tpu.memref_squeeze %dma_wait3A_142 : memref<1x128xi32, #tpu.memory_space<vmem>> -> memref<128xi32, #tpu.memory_space<vmem>>
          %dma_wait3A_144 = arith.constant 0 : i32
          %dma_wait3A_145 = arith.constant 0 : i32
          %dma_wait3A_146 = tpu.memref_slice %arg14[%dma_wait3A_144, %dma_wait3A_145] : memref<10240x128xf32, #tpu.memory_space<vmem_shared>> -> memref<10240x128xf32, #tpu.memory_space<vmem_shared>>
          tpu.wait_indirect_dma semaphore(%run_scoped3A_134 : memref<!tpu.dma_semaphore, #tpu.memory_space<semaphore_mem>>) src(%arg11 : memref<128x128xf32, #tpu.memory_space<vmem>>) dst(%dma_wait3A_146 : memref<10240x128xf32, #tpu.memory_space<vmem_shared>>)
          tpu.yield
        }) : () -> ()
        %add3A_124 = arith.constant 2 : i32
        %add3A_125 = arith.addi %mul3A_93, %add3A_124 : i32
        %add3A_126 = arith.constant 1 : i32
        %add3A_127 = arith.addi %add3A_125, %add3A_126 : i32
        %dma_start3A_128 = arith.constant 0 : i32
        %dma_start3A_129 = tpu.memref_slice %arg8[%add3A_127, %dma_start3A_128] : memref<40x128xi32, #tpu.memory_space<vmem>> -> memref<1x128xi32, #tpu.memory_space<vmem>>
        %dma_start3A_130 = tpu.memref_squeeze %dma_start3A_129 : memref<1x128xi32, #tpu.memory_space<vmem>> -> memref<128xi32, #tpu.memory_space<vmem>>
        %dma_start3A_131 = arith.constant 0 : i32
        %dma_start3A_132 = arith.constant 0 : i32
        %dma_start3A_133 = tpu.memref_slice %arg3[%dma_start3A_131, %dma_start3A_132] : memref<10240x128xf32, #tpu.memory_space<hbm>> -> memref<10240x128xf32, #tpu.memory_space<hbm>>
        tpu.enqueue_indirect_dma source(%dma_start3A_133 : memref<10240x128xf32, #tpu.memory_space<hbm>>) target(%arg11 : memref<128x128xf32, #tpu.memory_space<vmem>>) offsets(%dma_start3A_130 : memref<128xi32, #tpu.memory_space<vmem>>) semaphore(%arg13 : memref<!tpu.dma_semaphore, #tpu.memory_space<semaphore_mem>>)
      }
      %scan3A_68 = arith.constant 19 : i32
      %dma_wait3A_69 = arith.constant 38 : i32
      %dma_wait3A_70 = arith.constant 0 : i32
      %dma_wait3A_71 = tpu.memref_slice %arg8[%dma_wait3A_69, %dma_wait3A_70] : memref<40x128xi32, #tpu.memory_space<vmem>> -> memref<1x128xi32, #tpu.memory_space<vmem>>
      %dma_wait3A_72 = tpu.memref_squeeze %dma_wait3A_71 : memref<1x128xi32, #tpu.memory_space<vmem>> -> memref<128xi32, #tpu.memory_space<vmem>>
      %dma_wait3A_73 = arith.constant 0 : i32
      %dma_wait3A_74 = arith.constant 0 : i32
      %dma_wait3A_75 = tpu.memref_slice %arg3[%dma_wait3A_73, %dma_wait3A_74] : memref<10240x128xf32, #tpu.memory_space<hbm>> -> memref<10240x128xf32, #tpu.memory_space<hbm>>
      tpu.wait_indirect_dma semaphore(%arg12 : memref<!tpu.dma_semaphore, #tpu.memory_space<semaphore_mem>>) src(%dma_wait3A_75 : memref<10240x128xf32, #tpu.memory_space<hbm>>) dst(%arg10 : memref<128x128xf32, #tpu.memory_space<vmem>>)
      %run_scoped3A_76 = arith.constant 38 : i32
      "tpu.region"() ({
        %run_scoped3A_91 = tpu.sem_alloc : memref<!tpu.dma_semaphore, #tpu.memory_space<semaphore_mem>>
        %dma_start3A_92 = arith.constant 0 : i32
        %dma_start3A_93 = tpu.memref_slice %arg9[%run_scoped3A_76, %dma_start3A_92] : memref<40x128xi32, #tpu.memory_space<vmem>> -> memref<1x128xi32, #tpu.memory_space<vmem>>
        %dma_start3A_94 = tpu.memref_squeeze %dma_start3A_93 : memref<1x128xi32, #tpu.memory_space<vmem>> -> memref<128xi32, #tpu.memory_space<vmem>>
        %dma_start3A_95 = arith.constant 0 : i32
        %dma_start3A_96 = arith.constant 0 : i32
        %dma_start3A_97 = tpu.memref_slice %arg14[%dma_start3A_95, %dma_start3A_96] : memref<10240x128xf32, #tpu.memory_space<vmem_shared>> -> memref<10240x128xf32, #tpu.memory_space<vmem_shared>>
        tpu.enqueue_indirect_dma source(%arg10 : memref<128x128xf32, #tpu.memory_space<vmem>>) target(%dma_start3A_97 : memref<10240x128xf32, #tpu.memory_space<vmem_shared>>) offsets(%dma_start3A_94 : memref<128xi32, #tpu.memory_space<vmem>>) semaphore(%run_scoped3A_91 : memref<!tpu.dma_semaphore, #tpu.memory_space<semaphore_mem>>) {add = true}
        %dma_wait3A_98 = arith.constant 0 : i32
        %dma_wait3A_99 = tpu.memref_slice %arg9[%run_scoped3A_76, %dma_wait3A_98] : memref<40x128xi32, #tpu.memory_space<vmem>> -> memref<1x128xi32, #tpu.memory_space<vmem>>
        %dma_wait3A_100 = tpu.memref_squeeze %dma_wait3A_99 : memref<1x128xi32, #tpu.memory_space<vmem>> -> memref<128xi32, #tpu.memory_space<vmem>>
        %dma_wait3A_101 = arith.constant 0 : i32
        %dma_wait3A_102 = arith.constant 0 : i32
        %dma_wait3A_103 = tpu.memref_slice %arg14[%dma_wait3A_101, %dma_wait3A_102] : memref<10240x128xf32, #tpu.memory_space<vmem_shared>> -> memref<10240x128xf32, #tpu.memory_space<vmem_shared>>
        tpu.wait_indirect_dma semaphore(%run_scoped3A_91 : memref<!tpu.dma_semaphore, #tpu.memory_space<semaphore_mem>>) src(%arg10 : memref<128x128xf32, #tpu.memory_space<vmem>>) dst(%dma_wait3A_103 : memref<10240x128xf32, #tpu.memory_space<vmem_shared>>)
        tpu.yield
      }) : () -> ()
      %dma_wait3A_77 = arith.constant 39 : i32
      %dma_wait3A_78 = arith.constant 0 : i32
      %dma_wait3A_79 = tpu.memref_slice %arg8[%dma_wait3A_77, %dma_wait3A_78] : memref<40x128xi32, #tpu.memory_space<vmem>> -> memref<1x128xi32, #tpu.memory_space<vmem>>
      %dma_wait3A_80 = tpu.memref_squeeze %dma_wait3A_79 : memref<1x128xi32, #tpu.memory_space<vmem>> -> memref<128xi32, #tpu.memory_space<vmem>>
      %dma_wait3A_81 = arith.constant 0 : i32
      %dma_wait3A_82 = arith.constant 0 : i32
      %dma_wait3A_83 = tpu.memref_slice %arg3[%dma_wait3A_81, %dma_wait3A_82] : memref<10240x128xf32, #tpu.memory_space<hbm>> -> memref<10240x128xf32, #tpu.memory_space<hbm>>
      tpu.wait_indirect_dma semaphore(%arg13 : memref<!tpu.dma_semaphore, #tpu.memory_space<semaphore_mem>>) src(%dma_wait3A_83 : memref<10240x128xf32, #tpu.memory_space<hbm>>) dst(%arg11 : memref<128x128xf32, #tpu.memory_space<vmem>>)
      %run_scoped3A_84 = arith.constant 39 : i32
      "tpu.region"() ({
        %run_scoped3A_91 = tpu.sem_alloc : memref<!tpu.dma_semaphore, #tpu.memory_space<semaphore_mem>>
        %dma_start3A_92 = arith.constant 0 : i32
        %dma_start3A_93 = tpu.memref_slice %arg9[%run_scoped3A_84, %dma_start3A_92] : memref<40x128xi32, #tpu.memory_space<vmem>> -> memref<1x128xi32, #tpu.memory_space<vmem>>
        %dma_start3A_94 = tpu.memref_squeeze %dma_start3A_93 : memref<1x128xi32, #tpu.memory_space<vmem>> -> memref<128xi32, #tpu.memory_space<vmem>>
        %dma_start3A_95 = arith.constant 0 : i32
        %dma_start3A_96 = arith.constant 0 : i32
        %dma_start3A_97 = tpu.memref_slice %arg14[%dma_start3A_95, %dma_start3A_96] : memref<10240x128xf32, #tpu.memory_space<vmem_shared>> -> memref<10240x128xf32, #tpu.memory_space<vmem_shared>>
        tpu.enqueue_indirect_dma source(%arg11 : memref<128x128xf32, #tpu.memory_space<vmem>>) target(%dma_start3A_97 : memref<10240x128xf32, #tpu.memory_space<vmem_shared>>) offsets(%dma_start3A_94 : memref<128xi32, #tpu.memory_space<vmem>>) semaphore(%run_scoped3A_91 : memref<!tpu.dma_semaphore, #tpu.memory_space<semaphore_mem>>) {add = true}
        %dma_wait3A_98 = arith.constant 0 : i32
        %dma_wait3A_99 = tpu.memref_slice %arg9[%run_scoped3A_84, %dma_wait3A_98] : memref<40x128xi32, #tpu.memory_space<vmem>> -> memref<1x128xi32, #tpu.memory_space<vmem>>
        %dma_wait3A_100 = tpu.memref_squeeze %dma_wait3A_99 : memref<1x128xi32, #tpu.memory_space<vmem>> -> memref<128xi32, #tpu.memory_space<vmem>>
        %dma_wait3A_101 = arith.constant 0 : i32
        %dma_wait3A_102 = arith.constant 0 : i32
        %dma_wait3A_103 = tpu.memref_slice %arg14[%dma_wait3A_101, %dma_wait3A_102] : memref<10240x128xf32, #tpu.memory_space<vmem_shared>> -> memref<10240x128xf32, #tpu.memory_space<vmem_shared>>
        tpu.wait_indirect_dma semaphore(%run_scoped3A_91 : memref<!tpu.dma_semaphore, #tpu.memory_space<semaphore_mem>>) src(%arg11 : memref<128x128xf32, #tpu.memory_space<vmem>>) dst(%dma_wait3A_103 : memref<10240x128xf32, #tpu.memory_space<vmem_shared>>)
        tpu.yield
      }) : () -> ()
      %barrier3A_85 = arith.constant 0 : index
      tpu.barrier barrier_id(%barrier3A_85)
      %mul3A_86 = arith.constant 640 : i32
      %mul3A_87 = arith.muli %arg1, %mul3A_86 : i32
      %mul3A_88 = arith.constant 640 : i32
      %mul3A_89 = arith.muli %arg1, %mul3A_88 : i32
      %run_scoped3A_90 = arith.constant 1 : i32
      "tpu.region"() ({
        %run_scoped3A_91 = tpu.sem_alloc : memref<!tpu.dma_semaphore, #tpu.memory_space<semaphore_mem>>
        %dma_start3A_92 = arith.constant 0 : i32
        %dma_start3A_93 = arith.constant 0 : i32
        %dma_start3A_94 = tpu.memref_slice %arg7[%run_scoped3A_90, %dma_start3A_92, %dma_start3A_93] : memref<2x10240x128xf32, #tpu.memory_space<hbm>> -> memref<1x10240x128xf32, #tpu.memory_space<hbm>>
        %dma_start3A_95 = tpu.memref_squeeze %dma_start3A_94 : memref<1x10240x128xf32, #tpu.memory_space<hbm>> -> memref<10240x128xf32, #tpu.memory_space<hbm>>
        %dma_start3A_96 = arith.constant 0 : i32
        %dma_start3A_97 = tpu.memref_slice %dma_start3A_95[%mul3A_89, %dma_start3A_96] : memref<10240x128xf32, #tpu.memory_space<hbm>> -> memref<640x128xf32, #tpu.memory_space<hbm>>
        %dma_start3A_98 = arith.constant 0 : i32
        %dma_start3A_99 = tpu.memref_slice %arg14[%mul3A_87, %dma_start3A_98] : memref<10240x128xf32, #tpu.memory_space<vmem_shared>> -> memref<640x128xf32, #tpu.memory_space<vmem_shared>>
        tpu.enqueue_dma source(%dma_start3A_99 : memref<640x128xf32, #tpu.memory_space<vmem_shared>>) target(%dma_start3A_97 : memref<640x128xf32, #tpu.memory_space<hbm>>) target_semaphore(%run_scoped3A_91 : memref<!tpu.dma_semaphore, #tpu.memory_space<semaphore_mem>>)
        %dma_wait3A_100 = arith.constant 0 : i32
        %dma_wait3A_101 = arith.constant 0 : i32
        %dma_wait3A_102 = tpu.memref_slice %arg7[%run_scoped3A_90, %dma_wait3A_100, %dma_wait3A_101] : memref<2x10240x128xf32, #tpu.memory_space<hbm>> -> memref<1x10240x128xf32, #tpu.memory_space<hbm>>
        %dma_wait3A_103 = tpu.memref_squeeze %dma_wait3A_102 : memref<1x10240x128xf32, #tpu.memory_space<hbm>> -> memref<10240x128xf32, #tpu.memory_space<hbm>>
        %dma_wait3A_104 = arith.constant 0 : i32
        %dma_wait3A_105 = tpu.memref_slice %dma_wait3A_103[%mul3A_89, %dma_wait3A_104] : memref<10240x128xf32, #tpu.memory_space<hbm>> -> memref<640x128xf32, #tpu.memory_space<hbm>>
        %dma_wait3A_106 = arith.constant 0 : i32
        %dma_wait3A_107 = tpu.memref_slice %arg14[%mul3A_87, %dma_wait3A_106] : memref<10240x128xf32, #tpu.memory_space<vmem_shared>> -> memref<640x128xf32, #tpu.memory_space<vmem_shared>>
        tpu.wait_dma2 semaphore(%run_scoped3A_91 : memref<!tpu.dma_semaphore, #tpu.memory_space<semaphore_mem>>) src(%dma_wait3A_107 : memref<640x128xf32, #tpu.memory_space<vmem_shared>>) dst(%dma_wait3A_105 : memref<640x128xf32, #tpu.memory_space<hbm>>)
        tpu.yield
      }) : () -> ()
    } else {
    }
    return
  }
}

module attributes {stable_mosaic.version = 14 : i64} {
  func.func @_scale_body(%arg0: i32, %arg1: memref<1024x1xf32, #tpu.memory_space<vmem>>, %arg2: memref<1024x1xf32, #tpu.memory_space<vmem>>, %arg3: memref<1024x256xf32, #tpu.memory_space<vmem>>, %arg4: memref<1024x128xf32, #tpu.memory_space<vmem>>, %arg5: memref<1024x128xf32, #tpu.memory_space<vmem>>) attributes {dimension_semantics = [#tpu.dimension_semantics<arbitrary>], iteration_bounds = array<i64: 10>, scalar_prefetch = 0 : i64, scratch_operands = 0 : i64, tpu.core_type = #tpu.core_type<tc>, window_params = [{transform_indices = @transform_0, window_bounds = array<i64: 1024, 1>}, {transform_indices = @transform_1, window_bounds = array<i64: 1024, 1>}, {transform_indices = @transform_2, window_bounds = array<i64: 1024, 256>}, {transform_indices = @transform_3, window_bounds = array<i64: 1024, 128>}, {transform_indices = @transform_4, window_bounds = array<i64: 1024, 128>}]} {
    %get3A = arith.constant 0 : index
    %get3A_0 = arith.constant 0 : index
    %get3A_1 = vector.load %arg1[%get3A, %get3A_0] : memref<1024x1xf32, #tpu.memory_space<vmem>>, vector<1024x1xf32>
    %get3A_2 = arith.constant 0 : index
    %get3A_3 = arith.constant 0 : index
    %get3A_4 = vector.load %arg2[%get3A_2, %get3A_3] : memref<1024x1xf32, #tpu.memory_space<vmem>>, vector<1024x1xf32>
    %add3A = arith.addf %get3A_1, %get3A_4 : vector<1024x1xf32>
    %add3A_5 = arith.constant 1.000000e+00 : f32
    %add3A_6 = vector.broadcast %add3A_5 : f32 to vector<1024x1xf32>
    %add3A_7 = arith.addf %add3A, %add3A_6 : vector<1024x1xf32>
    %rsqrt3A = math.rsqrt %add3A_7 : vector<1024x1xf32>
    %get3A_8 = arith.constant 0 : index
    %get3A_9 = arith.constant 0 : index
    %get3A_10 = vector.load %arg3[%get3A_8, %get3A_9] : memref<1024x256xf32, #tpu.memory_space<vmem>>, vector<1024x256xf32>
    %mul3A = vector.broadcast %rsqrt3A : vector<1024x1xf32> to vector<1024x256xf32>
    %mul3A_11 = arith.mulf %get3A_10, %mul3A : vector<1024x256xf32>
    %slice3A = vector.extract_strided_slice %mul3A_11 {offsets = [0, 0], sizes = [1024, 128], strides = [1, 1]} : vector<1024x256xf32> to vector<1024x128xf32>
    %swap3A = arith.constant 0 : index
    %swap3A_12 = arith.constant 0 : index
    %swap3A_13 = vector.load %arg4[%swap3A, %swap3A_12] : memref<1024x128xf32, #tpu.memory_space<vmem>>, vector<1024x128xf32>
    tpu.vector_store %arg4[%swap3A, %swap3A_12], %slice3A {strides = array<i32>} : memref<1024x128xf32, #tpu.memory_space<vmem>>, vector<1024x128xf32>,
    %slice3A_14 = vector.extract_strided_slice %mul3A_11 {offsets = [0, 128], sizes = [1024, 128], strides = [1, 1]} : vector<1024x256xf32> to vector<1024x128xf32>
    %swap3A_15 = arith.constant 0 : index
    %swap3A_16 = arith.constant 0 : index
    %swap3A_17 = vector.load %arg5[%swap3A_15, %swap3A_16] : memref<1024x128xf32, #tpu.memory_space<vmem>>, vector<1024x128xf32>
    tpu.vector_store %arg5[%swap3A_15, %swap3A_16], %slice3A_14 {strides = array<i32>} : memref<1024x128xf32, #tpu.memory_space<vmem>>, vector<1024x128xf32>,
    return
  }
  func.func @transform_0(%arg0: i32) -> (i32, i32) {
    %c0_i32 = arith.constant 0 : i32
    %c0_i32_0 = arith.constant 0 : i32
    return %arg0, %c0_i32 : i32, i32
  }
  func.func @transform_1(%arg0: i32) -> (i32, i32) {
    %c0_i32 = arith.constant 0 : i32
    %c0_i32_0 = arith.constant 0 : i32
    return %arg0, %c0_i32 : i32, i32
  }
  func.func @transform_2(%arg0: i32) -> (i32, i32) {
    %c0_i32 = arith.constant 0 : i32
    %c0_i32_0 = arith.constant 0 : i32
    return %arg0, %c0_i32 : i32, i32
  }
  func.func @transform_3(%arg0: i32) -> (i32, i32) {
    %c0_i32 = arith.constant 0 : i32
    %c0_i32_0 = arith.constant 0 : i32
    return %arg0, %c0_i32 : i32, i32
  }
  func.func @transform_4(%arg0: i32) -> (i32, i32) {
    %c0_i32 = arith.constant 0 : i32
    %c0_i32_0 = arith.constant 0 : i32
    return %arg0, %c0_i32 : i32, i32
  }
}

module attributes {stable_mosaic.version = 14 : i64} {
  func.func @_out_body(%arg0: i32, %arg1: memref<1024x1xf32, #tpu.memory_space<vmem>>, %arg2: memref<1024x1xf32, #tpu.memory_space<vmem>>, %arg3: memref<1024x256xf32, #tpu.memory_space<vmem>>, %arg4: memref<1024x128xf32, #tpu.memory_space<vmem>>, %arg5: memref<1024x128xf32, #tpu.memory_space<vmem>>, %arg6: memref<256x256xf32, #tpu.memory_space<vmem>>, %arg7: memref<1x256xf32, #tpu.memory_space<vmem>>, %arg8: memref<1024x256xf32, #tpu.memory_space<vmem>>) attributes {dimension_semantics = [#tpu.dimension_semantics<arbitrary>], iteration_bounds = array<i64: 10>, scalar_prefetch = 0 : i64, scratch_operands = 0 : i64, tpu.core_type = #tpu.core_type<tc>, window_params = [{transform_indices = @transform_0, window_bounds = array<i64: 1024, 1>}, {transform_indices = @transform_1, window_bounds = array<i64: 1024, 1>}, {transform_indices = @transform_2, window_bounds = array<i64: 1024, 256>}, {transform_indices = @transform_3, window_bounds = array<i64: 1024, 128>}, {transform_indices = @transform_4, window_bounds = array<i64: 1024, 128>}, {pipeline_mode = #tpu.pipeline_mode<synchronous>, transform_indices = @transform_5, window_bounds = array<i64: 256, 256>}, {pipeline_mode = #tpu.pipeline_mode<synchronous>, transform_indices = @transform_6, window_bounds = array<i64: 1, 256>}, {transform_indices = @transform_7, window_bounds = array<i64: 1024, 256>}]} {
    %get3A = arith.constant 0 : index
    %get3A_0 = arith.constant 0 : index
    %get3A_1 = vector.load %arg1[%get3A, %get3A_0] : memref<1024x1xf32, #tpu.memory_space<vmem>>, vector<1024x1xf32>
    %get3A_2 = arith.constant 0 : index
    %get3A_3 = arith.constant 0 : index
    %get3A_4 = vector.load %arg2[%get3A_2, %get3A_3] : memref<1024x1xf32, #tpu.memory_space<vmem>>, vector<1024x1xf32>
    %add3A = arith.addf %get3A_1, %get3A_4 : vector<1024x1xf32>
    %add3A_5 = arith.constant 1.000000e+00 : f32
    %add3A_6 = vector.broadcast %add3A_5 : f32 to vector<1024x1xf32>
    %add3A_7 = arith.addf %add3A, %add3A_6 : vector<1024x1xf32>
    %rsqrt3A = math.rsqrt %add3A_7 : vector<1024x1xf32>
    %get3A_8 = arith.constant 0 : index
    %get3A_9 = arith.constant 0 : index
    %get3A_10 = vector.load %arg4[%get3A_8, %get3A_9] : memref<1024x128xf32, #tpu.memory_space<vmem>>, vector<1024x128xf32>
    %get3A_11 = arith.constant 0 : index
    %get3A_12 = arith.constant 0 : index
    %get3A_13 = vector.load %arg5[%get3A_11, %get3A_12] : memref<1024x128xf32, #tpu.memory_space<vmem>>, vector<1024x128xf32>
    %concatenate3A = tpu.concatenate %get3A_10, %get3A_13 in 1 : vector<1024x128xf32>, vector<1024x128xf32> -> vector<1024x256xf32>
    %get3A_14 = arith.constant 0 : index
    %get3A_15 = arith.constant 0 : index
    %get3A_16 = vector.load %arg3[%get3A_14, %get3A_15] : memref<1024x256xf32, #tpu.memory_space<vmem>>, vector<1024x256xf32>
    %mul3A = vector.broadcast %rsqrt3A : vector<1024x1xf32> to vector<1024x256xf32>
    %mul3A_17 = arith.mulf %mul3A, %get3A_16 : vector<1024x256xf32>
    %add3A_18 = arith.addf %concatenate3A, %mul3A_17 : vector<1024x256xf32>
    %mul3A_19 = vector.broadcast %rsqrt3A : vector<1024x1xf32> to vector<1024x256xf32>
    %mul3A_20 = arith.mulf %add3A_18, %mul3A_19 : vector<1024x256xf32>
    %get3A_21 = arith.constant 0 : index
    %get3A_22 = arith.constant 0 : index
    %get3A_23 = vector.load %arg6[%get3A_21, %get3A_22] : memref<256x256xf32, #tpu.memory_space<vmem>>, vector<256x256xf32>
    %dot_general3A = arith.constant dense<0.000000e+00> : vector<1024x256xf32>
    %dot_general3A_24 = tpu.matmul %mul3A_20, %get3A_23, %dot_general3A {dimension_numbers = #tpu.dot_dimension_numbers<[1], [1], [0], [0], [0, 0, 1, 0], [], []>, transpose_lhs_hint = false} : vector<1024x256xf32>, vector<256x256xf32>, vector<1024x256xf32> -> vector<1024x256xf32>
    %get3A_25 = arith.constant 0 : index
    %get3A_26 = arith.constant 0 : index
    %get3A_27 = vector.load %arg7[%get3A_25, %get3A_26] : memref<1x256xf32, #tpu.memory_space<vmem>>, vector<1x256xf32>
    %add3A_28 = vector.broadcast %get3A_27 : vector<1x256xf32> to vector<1024x256xf32>
    %add3A_29 = arith.addf %dot_general3A_24, %add3A_28 : vector<1024x256xf32>
    %swap3A = arith.constant 0 : index
    %swap3A_30 = arith.constant 0 : index
    %swap3A_31 = vector.load %arg8[%swap3A, %swap3A_30] : memref<1024x256xf32, #tpu.memory_space<vmem>>, vector<1024x256xf32>
    tpu.vector_store %arg8[%swap3A, %swap3A_30], %add3A_29 {strides = array<i32>} : memref<1024x256xf32, #tpu.memory_space<vmem>>, vector<1024x256xf32>,
    return
  }
  func.func @transform_0(%arg0: i32) -> (i32, i32) {
    %c0_i32 = arith.constant 0 : i32
    %c0_i32_0 = arith.constant 0 : i32
    return %arg0, %c0_i32 : i32, i32
  }
  func.func @transform_1(%arg0: i32) -> (i32, i32) {
    %c0_i32 = arith.constant 0 : i32
    %c0_i32_0 = arith.constant 0 : i32
    return %arg0, %c0_i32 : i32, i32
  }
  func.func @transform_2(%arg0: i32) -> (i32, i32) {
    %c0_i32 = arith.constant 0 : i32
    %c0_i32_0 = arith.constant 0 : i32
    return %arg0, %c0_i32 : i32, i32
  }
  func.func @transform_3(%arg0: i32) -> (i32, i32) {
    %c0_i32 = arith.constant 0 : i32
    %c0_i32_0 = arith.constant 0 : i32
    return %arg0, %c0_i32 : i32, i32
  }
  func.func @transform_4(%arg0: i32) -> (i32, i32) {
    %c0_i32 = arith.constant 0 : i32
    %c0_i32_0 = arith.constant 0 : i32
    return %arg0, %c0_i32 : i32, i32
  }
  func.func @transform_5(%arg0: i32) -> (i32, i32) {
    %c0_i32 = arith.constant 0 : i32
    %c0_i32_0 = arith.constant 0 : i32
    %c0_i32_1 = arith.constant 0 : i32
    return %c0_i32, %c0_i32_0 : i32, i32
  }
  func.func @transform_6(%arg0: i32) -> (i32, i32) {
    %c0_i32 = arith.constant 0 : i32
    %c0_i32_0 = arith.constant 0 : i32
    %c0_i32_1 = arith.constant 0 : i32
    return %c0_i32, %c0_i32_0 : i32, i32
  }
  func.func @transform_7(%arg0: i32) -> (i32, i32) {
    %c0_i32 = arith.constant 0 : i32
    %c0_i32_0 = arith.constant 0 : i32
    return %arg0, %c0_i32 : i32, i32
  }
}

</mosaic_0001>

<sc_bundles>
// kernel: kernel.6.cloned.1.call-start
scs
__scs_entry_jumppad:
0x0: {  	(pc) =	sbr.rel $0x88, $3  }
0x1: {  	(tag) =	ssettag $0x0;
	lr =	simm.s32 $0x1  }
0x2: {  	[smem:$0x3F9D] =	sst lr;
	_ =	strace $0xD0000000  }
0x3: {  	_ = 	snop  }
0x4: {  	_ = 	snop  }
0x5: {  	_ = 	snop  }
0x6: {  	_ = 	snop  }
0x7: {  	_ = 	snop  }
__scs_overlays_trampoline_lowered:
0x8: {  	[smem:$0x3FAC] =	sst s0  }
0x9: {  	[smem:$0x3FAD] =	sst s1  }
0xa: {  	[smem:$0x3FAE] =	sst s2  }
0xb: {  	[smem:$0x3FAF] =	sst s3  }
0xc: {  	[smem:$0x3FB0] =	sst s4  }
0xd: {  	[smem:$0x3FB1] =	sst s5  }
0xe: {  	[smem:$0x3FB2] =	sst s6  }
0xf: {  	[smem:$0x3FB3] =	sst s7  }
0x10: {  	[smem:$0x3FB4] =	sst s8  }
0x11: {  	[smem:$0x3FB5] =	sst s9;
	s0 =	simm.s32 @!p0 $0x0  }
0x12: {  	s1 =	sld [smem:$0x3F9B];
	s0 =	simm.s32 @p0 $0x1  }
0x13: {  	[smem:$0x3FB6] =	sst s0;
	s0 =	simm.s32 @!p1 $0x0  }
0x14: {  	s2 =	sld [smem:$0x3F9A];
	s0 =	simm.s32 @p1 $0x1  }
0x15: {  	[smem:$0x3FB7] =	sst s0;
	s0 =	simm.s32 @!p2 $0x0  }
0x16: {  	s3 =	sld [smem:$0x3FDB];
	s0 =	simm.s32 @p2 $0x1  }
0x17: {  	s4 =	simm.s32 $0x1BF5;
	[smem:$0x3FB9] =	sst s0  }
0x18: {  	s0 =	sld [smem:$0x3F9C];
	_ =	swait.ge [sflag:s4], $0x0  }
0x19: {  	s7 =	sld [smem:$0x3F9D]  }
0x1a: {  	s8 =	sadd.s32 $0xFFFFE003, lr  }
0x1b: {  	s9 =	sadd.s32 $0xFFFFFEF7, lr;
	s5 =	simm.s32 $0xFFFFFFFF;
	p2 =	slt.u32 s8, $0xFFFFF086  }
0x1c: {  	p1 =	slt.u32 s9, $0xF7A;
	s5 =	simm.s32 @!p2 $0x0  }
0x1d: {  	s5 =	simm.s32 @p1 $0x1;
	p0 =	seq.s32 s7, s2  }
0x1e: {  	s7 =	smul.u32 @!p0 $0xF7A, s2;
	p2 =	seq.s32 @!p0 s5, $0x0  }
0x1f: {  	s9 =	smul.u32 $0xF7A, s1;
	s8 =	simm.s32 @!p0 $0x1BF5;
	p2 =	por !p2, p0  }
0x20: {  	[sflag:s8] =	ssyncset.s32 @!p0 $0xFFFFF086;
	s6 =	sadd.s32 @!p0 s3, s7;
	s7 =	simm.s32 @!p0 $0x108  }
0x21: {  	s3 =	sadd.s32 s3, s9;
	s6 =	sadd.s32 @!p0 $0x88, s6;
	s7 =	simm.s32 @p2 $0x1082  }
0x22: {  	[simem:s7], [sflag:s8] =	dma.local @!p0 [hbm:s6], $0xF7A  }
0x23: {  	s9 =	sor.u32 $0xD0000000, s2;
	s6 =	simm.s32 $0x108;
	_ =	swait.ge @!p0 [sflag:s8], $0x0  }
0x24: {  	s3 =	sadd.s32 $0x88, s3;
	s6 =	simm.s32 @!p1 $0x1082;
	[sflag:s4] =	ssyncset.s32 $0xFFFFF086  }
0x25: {  	[simem:s6], [sflag:s4] =	dma.local [hbm:s3], $0xF7A  }
0x26: {  	[smem:$0x3F9D] =	sst s1;
	(tag) =	ssettag s2;
	_ =	strace s9  }
0x27: {  	s1 =	sld [smem:$0x3FAD]  }
0x28: {  	s2 =	sld [smem:$0x3FAE]  }
0x29: {  	s4 =	sld [smem:$0x3FB0]  }
0x2a: {  	p0 =	seq.s32 s5, $0x0;
	s5 =	sld [smem:$0x3FB1]  }
0x2b: {  	s6 =	sld [smem:$0x3FB2]  }
0x2c: {  	s7 =	sld [smem:$0x3FB3]  }
0x2d: {  	s3 =	simm.s32 $0x108;
	s8 =	sld [smem:$0x3FB4]  }
0x2e: {  	s3 =	simm.s32 @!p0 $0x1082;
	s9 =	sld [smem:$0x3FB5]  }
0x2f: {  	lr =	sadd.s32 s0, s3;
	s0 =	sld [smem:$0x3FAC]  }
0x30: {  	s3 =	sld [smem:$0x3FAF]  }
0x31: {  	[smem:$0x3FB8] =	sst s10  }
0x32: {  	s10 =	sld [smem:$0x3FB6];
	_ =	sdelay $0x3  }
0x33: {  	p0 =	seq.s32 s10, $0x1;
	s10 =	sld [smem:$0x3FB8];
	_ =	sdelay $0x3  }
0x34: {  	[smem:$0x3FB8] =	sst s10  }
0x35: {  	s10 =	sld [smem:$0x3FB7];
	_ =	sdelay $0x3  }
0x36: {  	p1 =	seq.s32 s10, $0x1;
	s10 =	sld [smem:$0x3FB8];
	_ =	sdelay $0x3  }
0x37: {  	[smem:$0x3FB8] =	sst s10  }
0x38: {  	s10 =	sld [smem:$0x3FB9]  }
0x39: {  	_ = 	snop;
	(pc) =	sbr.ind lr, $3  }
0x3a: {  	_ = 	snop  }
0x3b: {  	_ = 	snop  }
0x3c: {  	p2 =	seq.s32 s10, $0x1;
	s10 =	sld [smem:$0x3FB8]  }
0x3d: {  	_ =	shalt  }
0x3e: {  	_ =	shalt  }
0x3f: {  	_ =	shalt  }
0x40: {  	_ =	shalt  }
0x41: {  	_ =	shalt  }
0x42: {  	_ =	shalt  }
0x43: {  	_ =	shalt  }
0x44: {  	_ =	shalt  }
0x45: {  	_ =	shalt  }
0x46: {  	_ =	shalt  }
0x47: {  	_ =	shalt  }
0x48: {  	_ =	shalt  }
0x49: {  	_ =	shalt  }
0x4a: {  	_ =	shalt  }
0x4b: {  	_ =	shalt  }
0x4c: {  	_ =	shalt  }
0x4d: {  	_ =	shalt  }
0x4e: {  	_ =	shalt  }
0x4f: {  	_ =	shalt  }
0x50: {  	_ =	shalt  }
0x51: {  	_ =	shalt  }
0x52: {  	_ =	shalt  }
0x53: {  	_ =	shalt  }
0x54: {  	_ =	shalt  }
0x55: {  	_ =	shalt  }
0x56: {  	_ =	shalt  }
0x57: {  	_ =	shalt  }
0x58: {  	_ =	shalt  }
0x59: {  	_ =	shalt  }
0x5a: {  	_ =	shalt  }
0x5b: {  	_ =	shalt  }
0x5c: {  	_ =	shalt  }
0x5d: {  	_ =	shalt  }
0x5e: {  	_ =	shalt  }
0x5f: {  	_ =	shalt  }
0x60: {  	_ =	shalt  }
0x61: {  	_ =	shalt  }
0x62: {  	_ =	shalt  }
0x63: {  	_ =	shalt  }
0x64: {  	_ =	shalt  }
0x65: {  	_ =	shalt  }
0x66: {  	_ =	shalt  }
0x67: {  	_ =	shalt  }
0x68: {  	_ =	shalt  }
0x69: {  	_ =	shalt  }
0x6a: {  	_ =	shalt  }
0x6b: {  	_ =	shalt  }
0x6c: {  	_ =	shalt  }
0x6d: {  	_ =	shalt  }
0x6e: {  	_ =	shalt  }
0x6f: {  	_ =	shalt  }
0x70: {  	_ =	shalt  }
0x71: {  	_ =	shalt  }
0x72: {  	_ =	shalt  }
0x73: {  	_ =	shalt  }
0x74: {  	_ =	shalt  }
0x75: {  	_ =	shalt  }
0x76: {  	_ =	shalt  }
0x77: {  	_ =	shalt  }
0x78: {  	_ =	shalt  }
0x79: {  	_ =	shalt  }
0x7a: {  	_ =	shalt  }
0x7b: {  	_ =	shalt  }
0x7c: {  	_ =	shalt  }
0x7d: {  	_ =	shalt  }
0x7e: {  	_ =	shalt  }
0x7f: {  	_ =	shalt  }
0x80: {  	_ =	shalt  }
0x81: {  	_ =	shalt  }
0x82: {  	_ =	shalt  }
0x83: {  	_ =	shalt  }
0x84: {  	_ =	shalt  }
0x85: {  	_ =	shalt  }
0x86: {  	_ =	shalt  }
0x87: {  	_ =	shalt  }
.Lfunc_end0:
.L_simem_size_0:
called_computation_lowered:
.L_overlay_start_0:
0x88: {  	s2 =	sld [smem:$0x3FD9]  }
0x89: {  	s3 =	sld [smem:$0x3FFE];
	_ =	sdelay $0x1  }
0x8a: {  	s1 =	srdreg.scid  }
0x8b: {  	s0 =	sand.u32 $0x1, s1  }
0x8c: {  	s17 =	sshll.u32 s0, $0xA;
	s2 =	sadd.s32 s3, s2  }
0x8d: {  	s2 =	sadd.s32 s2, s17  }
0x8e: {  	[smem:$0x3FC4] =	sst s2  }
0x8f: {  	_ = 	snop  }
0x90: {  	s2 =	sld [smem:$0x3FD0];
	(tm) =	ssettm $0x1  }
0x91: {  	s18 =	sld [smem:$0x3FFB];
	_ =	sdelay $0x3  }
0x92: {  	_ =	strace s18  }
0x93: {  	s3 =	sld [smem:$0x3FFC];
	_ =	sdelay $0x3  }
0x94: {  	_ =	strace s3  }
0x95: {  	s3 =	sld [smem:$0x3FFD];
	_ =	sdelay $0x3  }
0x96: {  	_ =	strace s3  }
0x97: {  	_ =	strace $0x8FFFFFFF  }
0x98: {  	s19 =	sld [smem:$0x3FDB];
	_ =	sdelay $0x1  }
0x99: {  	s4 =	simm.s32 $_scs_section_size  }
0x9a: {  	s5 =	simm.s32 $_size__tile_overlayer_lowered;
	s6 =	simm.s32 $_tile_overlayer_lowered  }
0x9b: {  	s22 =	simm.s32 $0x1BFF;
	s21 =	sshll.u32 s6, $0x1;
	s3 =	sadd.s32 s4, s19  }
0x9c: {  	s7 =	simm.s32 $0x0;
	s20 =	sshll.u32 s5, $0x1;
	s5 =	sadd.s32 s21, s3  }
0x9d: {  	[timem:s7], [sflag:s22] =	dma.local [hbm:s5], s20  }
0x9e: {  	_ =	swait.ge [sflag:s22], s20  }
0x9f: {  	s4 =	ssub.s32 $0x0, s20;
	[sflag:s22] =	ssyncset.done $0x0  }
0xa0: {  	[sflag:s22] =	ssyncadd.s32 s4;
	_ =	sdelay $0x1  }
0xa1: {  	s23 =	simm.s32 $0x1B8B  }
0xa2: {  	_ =	swait.ge [sflag:s23], $0x1  }
0xa3: {  	[sflag:s23] =	ssyncset.done $0x0  }
0xa4: {  	s25 =	simm.s32 $0x1B8E;
	s24 =	sld [smem:$0x3FFE];
	[sflag:s23] =	ssyncadd.s32 $0xFFFFFFFF  }
0xa5: {  	s26 =	simm.s32 $execute0_lowered;
	[smem:$0x3FD2] =	sst s25  }
0xa6: {  	s5 =	sshll.u32 s26, $0x1;
	_ =	strace $0x80000046;
	[dreg:$0x1] =	wrdreg $0xFFFFFFFF  }
0xa7: {  	s28 =	simm.s32 $_size_execute0_lowered;
	s3 =	sadd.s32 s3, s5;
	[dreg:$0x0] =	wrdreg $0x0  }
0xa8: {  	s5 =	sshll.u32 s28, $0x1;
	[dreg:$0x2] =	wrdreg s3  }
0xa9: {  	[dreg:$0x3] =	wrdreg s5  }
0xaa: {  	[dreg:$0x4] =	wrdreg $0xC0  }
0xab: {  	_ =	task [dreg:s7], $0x5FFFF  }
0xac: {  	[dreg:$0x1] =	wrdreg $0xFFFFFFFF  }
0xad: {  	[dreg:$0x0] =	wrdreg $0x60  }
0xae: {  	[dreg:$0x2] =	wrdreg s24  }
0xaf: {  	[dreg:$0x3] =	wrdreg s2  }
0xb0: {  	[dreg:$0x4] =	wrdreg $0x17000  }
0xb1: {  	[dreg:$0x5] =	wrdreg $0x9  }
0xb2: {  	_ =	task.clear_ibuf [dreg:s7], $0x6FFFF;
	_ =	strace $0x90000046  }
0xb3: {  	s29 =	simm.s32 $0x9;
	_ =	strace $0x80000048  }
0xb4: {  	_ =	swait.ge [sflag:s29], $0x1  }
0xb5: {  	[sflag:s29] =	ssyncadd.s32 $0xFFFFFFFF  }
0xb6: {  	_ =	strace $0x90000048  }
0xb7: {  	_ =	sfence  }
0xb8: {  	s30 =	sld [smem:$0x0];
	_ =	sdelay $0x2  }
0xb9: {  	s31 =	sshll.u32 s1, $0xD;
	s1 =	sshrl.u32 s1, $0x2  }
0xba: {  	s3 =	sand.u32 $0x4000, s31;
	s1 =	sadd.s32 s1, s30  }
0xbb: {  	s0 =	sor.u32 s3, s0;
	s1 =	sshll.u32 s1, $0x11  }
0xbc: {  	s0 =	sor.u32 s1, s0  }
0xbd: {  	s0 =	sadd.s32 $0x8F2B, s0  }
0xbe: {  	[sflag:s0] =	ssyncadd.remote.s32 $0x1  }
0xbf: {  	_ =	sfence.sel $0xFFFF  }
0xc0: {  	[dreg:$0x0] =	wrdreg $0xFFFFFFFF;
	(pc) =	sbr.abs _section_cstart, $3  }
0xc1: {  	[dreg:$0x1] =	wrdreg $0xFFFFFFFF  }
0xc2: {  	_ =	task.clear_ibuf [dreg:s7], $0x2FFFF;
	_ =	strace $0x9FFFFFFF  }
0xc3: {  	(tm) =	ssettm $0x7FFFFFFF  }
tec
execute0_lowered:
.L_overlay_start_1:
0x0: {  	(tag) =	ssettag $0x1  }
0x1: {  	s4 =	rddreg [dreg:$0x0]  }
0x2: {  	s7 =	rddreg [dreg:$0x1]  }
0x3: {  	s0 =	srdreg.scid;
	s2 =	rddreg [dreg:$0x2]  }
0x4: {  	s3 =	simm.s32 $0x0;
	s6 =	sand.u32 $0x1, s0;
	s0 =	rddreg [dreg:$0x3]  }
0x5: {  	s1 =	stileid.u32;
	s14 =	simm.s32 $0x0;
	[smem:$0x7FF] =	sst s3  }
0x6: {  	s10 =	smul.u32 $0x280, s1;
	s11 =	sadd.s32 $0xB400, s4;
	s12 =	sshll.u32 s1, $0x6  }
0x7: {  	s5 =	sshll.u32 s6, $0x4;
	s8 =	ssub.s32 $0x2, s6;
	_ =	strace $0x80000047  }
0x8: {  	p0 =	seq.s32 s6, $0x1;
	s12 =	sor.u32 $0x1C01, s12;
	s5 =	sor.u32 s1, s5  }
0x9: {  	s9 =	sshrl.u32 s8, $0x1;
	s31 =	sshrl.u32 s10, $0x3;
	s7 =	smov.u32 @p0 s11  }
0xa: {  	s11 =	simm.s32 $0x1400;
	s5 =	smul.u32 $0x280, s5;
	s8 =	ssub.s32 s8, s9  }
0xb: {  	s7 =	sadd.s32 s7, s31;
	s9 =	simm.s32 $0x1;
	s6 =	smax.u32 s8, $0x1  }
0xc: {  	s8 =	simm.s32 $0x1480;
	s5 =	sadd.s32 s5, s4;
	s4 =	sadd.s32 s10, s2  }
0xd: {  	v0 =	vimm.f32 $1.000000000e+00;
	v1 =	vimm.f32 $0.0e+00;
	s10 =	simm.s32 $0x80;
	s5 =	sadd.s32 $0x6400, s5;
	s13 =	sshrl.u32 s4, $0x3  }
.LBB2_1:
0xe: {  	[tilespmem:$0x1400] =	vst v0  }
0xf: {  	[tilespmem:$0x1410] =	vst v0  }
0x10: {  	[tilespmem:$0x1420] =	vst v0  }
0x11: {  	[tilespmem:$0x1430] =	vst v0  }
0x12: {  	[tilespmem:$0x1440] =	vst v0  }
0x13: {  	[tilespmem:$0x1450] =	vst v0  }
0x14: {  	[tilespmem:$0x1460] =	vst v0  }
0x15: {  	[tilespmem:$0x1470] =	vst v0  }
0x16: {  	[tilespmem:$0x1480] =	vst v1  }
0x17: {  	[tilespmem:$0x1490] =	vst v1  }
0x18: {  	[tilespmem:$0x14A0] =	vst v1  }
0x19: {  	[tilespmem:$0x14B0] =	vst v1  }
0x1a: {  	[tilespmem:$0x14C0] =	vst v1  }
0x1b: {  	[tilespmem:$0x14D0] =	vst v1  }
0x1c: {  	[tilespmem:$0x14E0] =	vst v1  }
0x1d: {  	[tilespmem:$0x14F0] =	vst v1  }
0x1e: {  	[tilespmem:$0x1500] =	vst v1  }
0x1f: {  	[tilespmem:$0x1510] =	vst v1  }
0x20: {  	[tilespmem:$0x1520] =	vst v1  }
0x21: {  	[tilespmem:$0x1530] =	vst v1  }
0x22: {  	[tilespmem:$0x1540] =	vst v1  }
0x23: {  	[tilespmem:$0x1550] =	vst v1  }
0x24: {  	[tilespmem:$0x1560] =	vst v1  }
0x25: {  	[tilespmem:$0x1570] =	vst v1  }
0x26: {  	[tilespmem:$0x1580] =	vst v1  }
0x27: {  	[tilespmem:$0x1590] =	vst v1  }
0x28: {  	[tilespmem:$0x15A0] =	vst v1  }
0x29: {  	[tilespmem:$0x15B0] =	vst v1  }
0x2a: {  	[tilespmem:$0x15C0] =	vst v1  }
0x2b: {  	[tilespmem:$0x15D0] =	vst v1  }
0x2c: {  	[tilespmem:$0x15E0] =	vst v1  }
0x2d: {  	[tilespmem:$0x15F0] =	vst v1  }
0x2e: {  	[tilespmem:$0x1600] =	vst v1  }
0x2f: {  	[tilespmem:$0x1610] =	vst v1  }
0x30: {  	[tilespmem:$0x1620] =	vst v1  }
0x31: {  	[tilespmem:$0x1630] =	vst v1  }
0x32: {  	[tilespmem:$0x1640] =	vst v1  }
0x33: {  	[tilespmem:$0x1650] =	vst v1  }
0x34: {  	[tilespmem:$0x1660] =	vst v1  }
0x35: {  	[tilespmem:$0x1670] =	vst v1  }
0x36: {  	[tilespmem:$0x1680] =	vst v1  }
0x37: {  	[tilespmem:$0x1690] =	vst v1  }
0x38: {  	[tilespmem:$0x16A0] =	vst v1  }
0x39: {  	[tilespmem:$0x16B0] =	vst v1  }
0x3a: {  	[tilespmem:$0x16C0] =	vst v1  }
0x3b: {  	[tilespmem:$0x16D0] =	vst v1  }
0x3c: {  	[tilespmem:$0x16E0] =	vst v1  }
0x3d: {  	[tilespmem:$0x16F0] =	vst v1  }
0x3e: {  	[spmem:s4] =	stream.linear.scatter [tilespmem:s8], [sflag:$0x1], $0x280, $0x38;
	[tilespmem:$0x1980] =	vst v63  }
0x3f: {  	_ =	swait.ge [sflag:s9], $0x280  }
0x40: {  	[sflag:s9] =	ssyncset.done $0x0  }
0x41: {  	[sflag:s9] =	ssyncadd.s32 $0xFFFFFD80  }
0x42: {  	[tilespmem:s3], [sflag:$0x1] =	stream.linear.gather [hbm4b:s5+s3], $0x1400, $0x38;
	[tilespmem:$0x1980] =	vst v63  }
0x43: {  	_ =	swait.ge [sflag:s9], $0x1400  }
0x44: {  	[sflag:s9] =	ssyncset.done $0x0  }
0x45: {  	[sflag:s9] =	ssyncadd.s32 $0xFFFFEC00  }
0x46: {  	s15 =	simm.s32 $0x0;
	[bflag:$0x0] =	sbarrier.arrive $0xFFFF  }
0x47: {  	[spmem:s2] =	stream.indirect.scatter.add.f32 [tilespmem:s11], [sflag:$0x1], $0x1, s15, s10, $0xb8;
	[tilespmem:$0x1980] =	vst v63  }
0x48: {  	_ =	swait.ge [sflag:s9], $0x80  }
0x49: {  	s15 =	simm.s32 $0x200;
	[sflag:s9] =	ssyncset.done $0x0  }
.LBB2_2:
0x4a: {  	s16 =	sshra.s32 s15, $0x2;
	[sflag:s9] =	ssyncadd.s32 $0xFFFFFF80;
	p0 =	sne.s32 s15, $0x4E00  }
0x4b: {  	[spmem:s2] =	stream.indirect.scatter.add.f32 [tilespmem:s11], [sflag:$0x1], $0x1, s16, s10, $0xb8;
	[tilespmem:$0x1980] =	vst v63  }
.Ltmp0:
0x4c: {  	_ = 	snop;
	(pc) =	sbr.rel @p0 .LBB2_2-.Ltmp0, $4  }
0x4d: {  	_ = 	snop  }
0x4e: {  	s15 =	sadd.s32 $0x200, s15  }
0x4f: {  	_ =	swait.ge [sflag:s9], $0x80  }
0x50: {  	[sflag:s9] =	ssyncset.done $0x0  }
0x51: {  	s14 =	sadd.s32 $0x1, s14  }
0x52: {  	[sflag:s9] =	ssyncadd.s32 $0xFFFFFF80;
	p0 =	sne.s32 s14, s6  }
.Ltmp1:
0x53: {  	[bflag:$0x0] =	sbarrier.arrive $0xFFFF;
	(pc) =	sbr.rel @p0 .LBB2_1-.Ltmp1, $4  }
0x54: {  	[hbm:s7], [sflag:s12] =	dma.local [spmem:s13], $0x50  }
0x55: {  	_ =	swait.ge [sflag:s9], $0x50  }
0x56: {  	[sflag:s9] =	ssyncset.done $0x0  }
0x57: {  	[sflag:s9] =	ssyncadd.s32 $0xFFFFFFB0  }
0x58: {  	_ =	sfence.sel $0x180000  }
0x59: {  	[bflag:$0x0] =	sbarrier.arrive $0xFFFF  }
0x5a: {  	p0 =	sne.s32 s1, $0x0;
	_ =	strace $0x90000047  }
0x5b: {  	s0 =	sadd.s32 @!p0 $0x100000, s0;
	[bflag:$0x2] =	sbarrier.arrive $0xFFFF  }
0x5c: {  	[sflag:s0] =	ssyncadd.tile.s32 @!p0 $0x1;
	_ =	shalt  }
.Lfunc_end2:
_tile_overlayer_lowered:
.L_overlay_start_2:
0x5d: {  	(tag) =	ssettag $0x2  }
0x5e: {  	s0 =	rddreg [dreg:$0x0];
	s2 =	stileid.u32  }
0x5f: {  	s1 =	rddreg [dreg:$0x1];
	p0 =	sne.s32 s2, $0x0  }
0x60: {  	s3 =	rddreg [dreg:$0x2];
	[bflag:$0x3] =	sbarrier.arrive $0xFFFF;
	s2 =	simm.s32 @!p0 $0x1C01  }
0x61: {  	[timem:s3], [sflag:s2] =	dma.local @!p0 [hbm:s0], s1  }
0x62: {  	s0 =	simm.s32 @!p0 $0x1  }
0x63: {  	_ =	swait.ge @!p0 [sflag:s0], s1  }
0x64: {  	s1 =	ssub.s32 @!p0 $0x0, s1;
	[sflag:s0] =	ssyncset.done @!p0 $0x0  }
0x65: {  	[sflag:s0] =	ssyncadd.s32 @!p0 s1  }
0x66: {  	[bflag:$0x3] =	sbarrier.arrive $0xFFFF  }
0x67: {  	_ =	shalt  }

// kernel: kernel.9.cloned.1.call-start
scs
__scs_entry_jumppad:
0x0: {  	(pc) =	sbr.rel $0x88, $3  }
0x1: {  	(tag) =	ssettag $0x0;
	lr =	simm.s32 $0x1  }
0x2: {  	[smem:$0x3F9D] =	sst lr;
	_ =	strace $0xD0000000  }
0x3: {  	_ = 	snop  }
0x4: {  	_ = 	snop  }
0x5: {  	_ = 	snop  }
0x6: {  	_ = 	snop  }
0x7: {  	_ = 	snop  }
__scs_overlays_trampoline_lowered:
0x8: {  	[smem:$0x3FAC] =	sst s0  }
0x9: {  	[smem:$0x3FAD] =	sst s1  }
0xa: {  	[smem:$0x3FAE] =	sst s2  }
0xb: {  	[smem:$0x3FAF] =	sst s3  }
0xc: {  	[smem:$0x3FB0] =	sst s4  }
0xd: {  	[smem:$0x3FB1] =	sst s5  }
0xe: {  	[smem:$0x3FB2] =	sst s6  }
0xf: {  	[smem:$0x3FB3] =	sst s7  }
0x10: {  	[smem:$0x3FB4] =	sst s8  }
0x11: {  	[smem:$0x3FB5] =	sst s9;
	s0 =	simm.s32 @!p0 $0x0  }
0x12: {  	s1 =	sld [smem:$0x3F9B];
	s0 =	simm.s32 @p0 $0x1  }
0x13: {  	[smem:$0x3FB6] =	sst s0;
	s0 =	simm.s32 @!p1 $0x0  }
0x14: {  	s2 =	sld [smem:$0x3F9A];
	s0 =	simm.s32 @p1 $0x1  }
0x15: {  	[smem:$0x3FB7] =	sst s0;
	s0 =	simm.s32 @!p2 $0x0  }
0x16: {  	s3 =	sld [smem:$0x3FDB];
	s0 =	simm.s32 @p2 $0x1  }
0x17: {  	s4 =	simm.s32 $0x1BF5;
	[smem:$0x3FB9] =	sst s0  }
0x18: {  	s0 =	sld [smem:$0x3F9C];
	_ =	swait.ge [sflag:s4], $0x0  }
0x19: {  	s7 =	sld [smem:$0x3F9D]  }
0x1a: {  	s8 =	sadd.s32 $0xFFFFE003, lr  }
0x1b: {  	s9 =	sadd.s32 $0xFFFFFEF7, lr;
	s5 =	simm.s32 $0xFFFFFFFF;
	p2 =	slt.u32 s8, $0xFFFFF086  }
0x1c: {  	p1 =	slt.u32 s9, $0xF7A;
	s5 =	simm.s32 @!p2 $0x0  }
0x1d: {  	s5 =	simm.s32 @p1 $0x1;
	p0 =	seq.s32 s7, s2  }
0x1e: {  	s7 =	smul.u32 @!p0 $0xF7A, s2;
	p2 =	seq.s32 @!p0 s5, $0x0  }
0x1f: {  	s9 =	smul.u32 $0xF7A, s1;
	s8 =	simm.s32 @!p0 $0x1BF5;
	p2 =	por !p2, p0  }
0x20: {  	[sflag:s8] =	ssyncset.s32 @!p0 $0xFFFFF086;
	s6 =	sadd.s32 @!p0 s3, s7;
	s7 =	simm.s32 @!p0 $0x108  }
0x21: {  	s3 =	sadd.s32 s3, s9;
	s6 =	sadd.s32 @!p0 $0x88, s6;
	s7 =	simm.s32 @p2 $0x1082  }
0x22: {  	[simem:s7], [sflag:s8] =	dma.local @!p0 [hbm:s6], $0xF7A  }
0x23: {  	s9 =	sor.u32 $0xD0000000, s2;
	s6 =	simm.s32 $0x108;
	_ =	swait.ge @!p0 [sflag:s8], $0x0  }
0x24: {  	s3 =	sadd.s32 $0x88, s3;
	s6 =	simm.s32 @!p1 $0x1082;
	[sflag:s4] =	ssyncset.s32 $0xFFFFF086  }
0x25: {  	[simem:s6], [sflag:s4] =	dma.local [hbm:s3], $0xF7A  }
0x26: {  	[smem:$0x3F9D] =	sst s1;
	(tag) =	ssettag s2;
	_ =	strace s9  }
0x27: {  	s1 =	sld [smem:$0x3FAD]  }
0x28: {  	s2 =	sld [smem:$0x3FAE]  }
0x29: {  	s4 =	sld [smem:$0x3FB0]  }
0x2a: {  	p0 =	seq.s32 s5, $0x0;
	s5 =	sld [smem:$0x3FB1]  }
0x2b: {  	s6 =	sld [smem:$0x3FB2]  }
0x2c: {  	s7 =	sld [smem:$0x3FB3]  }
0x2d: {  	s3 =	simm.s32 $0x108;
	s8 =	sld [smem:$0x3FB4]  }
0x2e: {  	s3 =	simm.s32 @!p0 $0x1082;
	s9 =	sld [smem:$0x3FB5]  }
0x2f: {  	lr =	sadd.s32 s0, s3;
	s0 =	sld [smem:$0x3FAC]  }
0x30: {  	s3 =	sld [smem:$0x3FAF]  }
0x31: {  	[smem:$0x3FB8] =	sst s10  }
0x32: {  	s10 =	sld [smem:$0x3FB6];
	_ =	sdelay $0x3  }
0x33: {  	p0 =	seq.s32 s10, $0x1;
	s10 =	sld [smem:$0x3FB8];
	_ =	sdelay $0x3  }
0x34: {  	[smem:$0x3FB8] =	sst s10  }
0x35: {  	s10 =	sld [smem:$0x3FB7];
	_ =	sdelay $0x3  }
0x36: {  	p1 =	seq.s32 s10, $0x1;
	s10 =	sld [smem:$0x3FB8];
	_ =	sdelay $0x3  }
0x37: {  	[smem:$0x3FB8] =	sst s10  }
0x38: {  	s10 =	sld [smem:$0x3FB9]  }
0x39: {  	_ = 	snop;
	(pc) =	sbr.ind lr, $3  }
0x3a: {  	_ = 	snop  }
0x3b: {  	_ = 	snop  }
0x3c: {  	p2 =	seq.s32 s10, $0x1;
	s10 =	sld [smem:$0x3FB8]  }
0x3d: {  	_ =	shalt  }
0x3e: {  	_ =	shalt  }
0x3f: {  	_ =	shalt  }
0x40: {  	_ =	shalt  }
0x41: {  	_ =	shalt  }
0x42: {  	_ =	shalt  }
0x43: {  	_ =	shalt  }
0x44: {  	_ =	shalt  }
0x45: {  	_ =	shalt  }
0x46: {  	_ =	shalt  }
0x47: {  	_ =	shalt  }
0x48: {  	_ =	shalt  }
0x49: {  	_ =	shalt  }
0x4a: {  	_ =	shalt  }
0x4b: {  	_ =	shalt  }
0x4c: {  	_ =	shalt  }
0x4d: {  	_ =	shalt  }
0x4e: {  	_ =	shalt  }
0x4f: {  	_ =	shalt  }
0x50: {  	_ =	shalt  }
0x51: {  	_ =	shalt  }
0x52: {  	_ =	shalt  }
0x53: {  	_ =	shalt  }
0x54: {  	_ =	shalt  }
0x55: {  	_ =	shalt  }
0x56: {  	_ =	shalt  }
0x57: {  	_ =	shalt  }
0x58: {  	_ =	shalt  }
0x59: {  	_ =	shalt  }
0x5a: {  	_ =	shalt  }
0x5b: {  	_ =	shalt  }
0x5c: {  	_ =	shalt  }
0x5d: {  	_ =	shalt  }
0x5e: {  	_ =	shalt  }
0x5f: {  	_ =	shalt  }
0x60: {  	_ =	shalt  }
0x61: {  	_ =	shalt  }
0x62: {  	_ =	shalt  }
0x63: {  	_ =	shalt  }
0x64: {  	_ =	shalt  }
0x65: {  	_ =	shalt  }
0x66: {  	_ =	shalt  }
0x67: {  	_ =	shalt  }
0x68: {  	_ =	shalt  }
0x69: {  	_ =	shalt  }
0x6a: {  	_ =	shalt  }
0x6b: {  	_ =	shalt  }
0x6c: {  	_ =	shalt  }
0x6d: {  	_ =	shalt  }
0x6e: {  	_ =	shalt  }
0x6f: {  	_ =	shalt  }
0x70: {  	_ =	shalt  }
0x71: {  	_ =	shalt  }
0x72: {  	_ =	shalt  }
0x73: {  	_ =	shalt  }
0x74: {  	_ =	shalt  }
0x75: {  	_ =	shalt  }
0x76: {  	_ =	shalt  }
0x77: {  	_ =	shalt  }
0x78: {  	_ =	shalt  }
0x79: {  	_ =	shalt  }
0x7a: {  	_ =	shalt  }
0x7b: {  	_ =	shalt  }
0x7c: {  	_ =	shalt  }
0x7d: {  	_ =	shalt  }
0x7e: {  	_ =	shalt  }
0x7f: {  	_ =	shalt  }
0x80: {  	_ =	shalt  }
0x81: {  	_ =	shalt  }
0x82: {  	_ =	shalt  }
0x83: {  	_ =	shalt  }
0x84: {  	_ =	shalt  }
0x85: {  	_ =	shalt  }
0x86: {  	_ =	shalt  }
0x87: {  	_ =	shalt  }
.Lfunc_end0:
.L_simem_size_0:
called_computation.1_lowered:
.L_overlay_start_0:
0x88: {  	s2 =	sld [smem:$0x3FD9]  }
0x89: {  	s3 =	sld [smem:$0x3FFE];
	_ =	sdelay $0x1  }
0x8a: {  	s1 =	srdreg.scid  }
0x8b: {  	s0 =	sand.u32 $0x1, s1  }
0x8c: {  	s17 =	sshll.u32 s0, $0xA;
	s2 =	sadd.s32 s3, s2  }
0x8d: {  	s2 =	sadd.s32 s2, s17  }
0x8e: {  	[smem:$0x3FC4] =	sst s2  }
0x8f: {  	_ = 	snop  }
0x90: {  	s2 =	sld [smem:$0x3FD0];
	(tm) =	ssettm $0x1  }
0x91: {  	s18 =	sld [smem:$0x3FFB];
	_ =	sdelay $0x3  }
0x92: {  	_ =	strace s18  }
0x93: {  	s3 =	sld [smem:$0x3FFC];
	_ =	sdelay $0x3  }
0x94: {  	_ =	strace s3  }
0x95: {  	s3 =	sld [smem:$0x3FFD];
	_ =	sdelay $0x3  }
0x96: {  	_ =	strace s3  }
0x97: {  	_ =	strace $0x8FFFFFFF  }
0x98: {  	s19 =	sld [smem:$0x3FDB];
	_ =	sdelay $0x1  }
0x99: {  	s4 =	simm.s32 $_scs_section_size  }
0x9a: {  	s5 =	simm.s32 $_size__tile_overlayer_lowered;
	s6 =	simm.s32 $_tile_overlayer_lowered  }
0x9b: {  	s22 =	simm.s32 $0x1BFF;
	s21 =	sshll.u32 s6, $0x1;
	s3 =	sadd.s32 s4, s19  }
0x9c: {  	s7 =	simm.s32 $0x0;
	s20 =	sshll.u32 s5, $0x1;
	s5 =	sadd.s32 s21, s3  }
0x9d: {  	[timem:s7], [sflag:s22] =	dma.local [hbm:s5], s20  }
0x9e: {  	_ =	swait.ge [sflag:s22], s20  }
0x9f: {  	s4 =	ssub.s32 $0x0, s20;
	[sflag:s22] =	ssyncset.done $0x0  }
0xa0: {  	[sflag:s22] =	ssyncadd.s32 s4;
	_ =	sdelay $0x1  }
0xa1: {  	s23 =	simm.s32 $0x1B8B  }
0xa2: {  	_ =	swait.ge [sflag:s23], $0x1  }
0xa3: {  	[sflag:s23] =	ssyncset.done $0x0  }
0xa4: {  	s25 =	simm.s32 $0x1B8E;
	s24 =	sld [smem:$0x3FFE];
	[sflag:s23] =	ssyncadd.s32 $0xFFFFFFFF  }
0xa5: {  	s26 =	simm.s32 $execute0_lowered;
	[smem:$0x3FD2] =	sst s25  }
0xa6: {  	s5 =	sshll.u32 s26, $0x1;
	_ =	strace $0x80000049;
	[dreg:$0x1] =	wrdreg $0xFFFFFFFF  }
0xa7: {  	s28 =	simm.s32 $_size_execute0_lowered;
	s3 =	sadd.s32 s3, s5;
	[dreg:$0x0] =	wrdreg $0x0  }
0xa8: {  	s5 =	sshll.u32 s28, $0x1;
	[dreg:$0x2] =	wrdreg s3  }
0xa9: {  	[dreg:$0x3] =	wrdreg s5  }
0xaa: {  	[dreg:$0x4] =	wrdreg $0xC0  }
0xab: {  	_ =	task [dreg:s7], $0x5FFFF  }
0xac: {  	[dreg:$0x1] =	wrdreg $0xFFFFFFFF  }
0xad: {  	[dreg:$0x0] =	wrdreg $0x60  }
0xae: {  	[dreg:$0x2] =	wrdreg s2  }
0xaf: {  	[dreg:$0x3] =	wrdreg s24  }
0xb0: {  	[dreg:$0x4] =	wrdreg $0xA8000  }
0xb1: {  	[dreg:$0x5] =	wrdreg $0x9  }
0xb2: {  	_ =	task.clear_ibuf [dreg:s7], $0x6FFFF;
	_ =	strace $0x90000049  }
0xb3: {  	s29 =	simm.s32 $0x9;
	_ =	strace $0x8000004B  }
0xb4: {  	_ =	swait.ge [sflag:s29], $0x1  }
0xb5: {  	[sflag:s29] =	ssyncadd.s32 $0xFFFFFFFF  }
0xb6: {  	_ =	strace $0x9000004B  }
0xb7: {  	_ =	sfence  }
0xb8: {  	s30 =	sld [smem:$0x0];
	_ =	sdelay $0x2  }
0xb9: {  	s31 =	sshll.u32 s1, $0xD;
	s1 =	sshrl.u32 s1, $0x2  }
0xba: {  	s3 =	sand.u32 $0x4000, s31;
	s1 =	sadd.s32 s1, s30  }
0xbb: {  	s0 =	sor.u32 s3, s0;
	s1 =	sshll.u32 s1, $0x11  }
0xbc: {  	s0 =	sor.u32 s1, s0  }
0xbd: {  	s0 =	sadd.s32 $0x8F2B, s0  }
0xbe: {  	[sflag:s0] =	ssyncadd.remote.s32 $0x1  }
0xbf: {  	_ =	sfence.sel $0xFFFF  }
0xc0: {  	[dreg:$0x0] =	wrdreg $0xFFFFFFFF;
	(pc) =	sbr.abs _section_cstart, $3  }
0xc1: {  	[dreg:$0x1] =	wrdreg $0xFFFFFFFF  }
0xc2: {  	_ =	task.clear_ibuf [dreg:s7], $0x2FFFF;
	_ =	strace $0x9FFFFFFF  }
0xc3: {  	(tm) =	ssettm $0x7FFFFFFF  }
tec
execute0_lowered:
.L_overlay_start_1:
0x0: {  	(tag) =	ssettag $0x1  }
0x1: {  	s1 =	rddreg [dreg:$0x0]  }
0x2: {  	s12 =	rddreg [dreg:$0x1]  }
0x3: {  	s2 =	rddreg [dreg:$0x2]  }
0x4: {  	s0 =	rddreg [dreg:$0x3];
	s3 =	simm.s32 $0x0;
	s6 =	srdreg.scid  }
0x5: {  	s4 =	stileid.u32;
	s16 =	simm.s32 $0x2800;
	s18 =	simm.s32 $0x6800  }
0x6: {  	s21 =	simm.s32 $0x1;
	s22 =	simm.s32 $0x2;
	s23 =	simm.s32 $0x2700  }
0x7: {  	s26 =	simm.s32 $0x0;
	[smem:$0x7FF] =	sst s3;
	s24 =	smul.u32 $0x2800, s4  }
0x8: {  	s5 =	sadd.s32 $0xB400, s12;
	s6 =	sand.u32 $0x1, s6;
	s11 =	smul.u32 $0x500, s4  }
0x9: {  	s9 =	sadd.s32 $0x6400, s12;
	s10 =	sadd.s32 $0x1400, s12;
	s30 =	smul.u32 $0x50000, s4  }
0xa: {  	s25 =	sadd.s32 $0x83400, s12;
	s17 =	sshll.u32 s4, $0x6;
	_ =	strace $0x8000004A  }
0xb: {  	s7 =	ssub.s32 $0x2, s6;
	p0 =	seq.s32 s6, $0x1;
	s19 =	sor.u32 $0x1C03, s17  }
0xc: {  	s8 =	sshrl.u32 s7, $0x1;
	s13 =	sadd.s32 s24, s12;
	s6 =	sadd.s32 s9, s11  }
0xd: {  	s15 =	sshrl.u32 s24, $0x3;
	s24 =	sadd.s32 s24, s25;
	s25 =	simm.s32 $0x2780  }
.Ltmp0:
0xe: {  	s14 =	ssub.s32 s7, s8;
	s7 =	sadd.s32 s10, s11;
	(pc) =	sbr.rel .LBB2_1-.Ltmp0, $4  }
0xf: {  	s8 =	sshrl.u32 s30, $0x2;
	s31 =	sadd.s32 $0x280, s15;
	s11 =	sadd.s32 $0x5B400, s13  }
0x10: {  	s15 =	simm.s32 $0x80;
	s20 =	sadd.s32 s8, s2;
	s8 =	sadd.s32 $0x33400, s13  }
0x11: {  	s9 =	sadd.s32 s9, s31;
	s10 =	sadd.s32 s10, s31;
	s12 =	smax.u32 s14, $0x1  }
0x12: {  	s13 =	simm.s32 $0x3;
	s14 =	simm.s32 $0x1400;
	s20 =	sshrl.u32 s20, $0x3  }
.LBB2_11:
0x13: {  	[tilespmem:s18], [sflag:$0x2] =	stream.indirect.gather [hbm4b:s5+s15], $0x80, s29, s15, $0xb8;
	[tilespmem:$0x1E800] =	vst v63  }
0x14: {  	_ =	swait.ge [sflag:s21], $0x4000  }
0x15: {  	[sflag:s21] =	ssyncset.done $0x0  }
0x16: {  	[sflag:s21] =	ssyncadd.s32 $0xFFFFC000  }
0x17: {  	[spmem:s2] =	stream.indirect.scatter.add.f32 [tilespmem:s16], [sflag:$0x3], $0x80, s23, s15, $0xb8;
	[tilespmem:$0x1E800] =	vst v63  }
0x18: {  	_ =	swait.ge [sflag:s13], $0x4000  }
0x19: {  	[sflag:s13] =	ssyncset.done $0x0  }
0x1a: {  	[sflag:s13] =	ssyncadd.s32 $0xFFFFC000  }
0x1b: {  	_ =	swait.ge [sflag:s22], $0x4000  }
0x1c: {  	[sflag:s22] =	ssyncset.done $0x0  }
0x1d: {  	[sflag:s22] =	ssyncadd.s32 $0xFFFFC000  }
0x1e: {  	[spmem:s2] =	stream.indirect.scatter.add.f32 [tilespmem:s18], [sflag:$0x3], $0x80, s25, s15, $0xb8;
	[tilespmem:$0x1E800] =	vst v63  }
0x1f: {  	_ =	swait.ge [sflag:s13], $0x4000  }
0x20: {  	[sflag:s13] =	ssyncset.done $0x0  }
0x21: {  	[sflag:s13] =	ssyncadd.s32 $0xFFFFC000  }
0x22: {  	s29 =	smov.u32 s24;
	s28 =	smov.u32 s19;
	[bflag:$0x0] =	sbarrier.arrive $0xFFFF  }
.LBB2_12:
0x23: {  	s26 =	sadd.s32 $0x1, s26  }
0x24: {  	p1 =	sne.s32 s26, s12  }
.Ltmp1:
0x25: {  	_ = 	snop;
	(pc) =	sbr.rel @!p1 .LBB2_13-.Ltmp1, $4  }
0x26: {  	[hbm:s29], [sflag:s28] =	dma.local [spmem:s20], $0x2800  }
0x27: {  	_ =	swait.ge [sflag:s13], $0x2800  }
0x28: {  	[sflag:s13] =	ssyncset.done $0x0  }
0x29: {  	[sflag:s13] =	ssyncadd.s32 $0xFFFFD800  }
.LBB2_1:
0x2a: {  	[tilespmem:s3], [sflag:$0x3] =	stream.linear.gather [hbm4b:s6+s3], $0x1400, $0x38;
	[tilespmem:$0x1E800] =	vst v63  }
0x2b: {  	_ =	swait.ge [sflag:s13], $0x1400  }
0x2c: {  	[sflag:s13] =	ssyncset.done $0x0  }
.Ltmp2:
0x2d: {  	[sflag:s13] =	ssyncadd.s32 $0xFFFFEC00;
	(pc) =	sbr.rel @!p0 .LBB2_2-.Ltmp2, $4  }
0x2e: {  	[tilespmem:s14], [sflag:$0x3] =	stream.linear.gather [hbm4b:s7+s3], $0x1400, $0x38;
	[tilespmem:$0x1E800] =	vst v63  }
0x2f: {  	_ =	swait.ge [sflag:s13], $0x1400  }
0x30: {  	[sflag:s13] =	ssyncset.done $0x0  }
0x31: {  	s28 =	simm.s32 $0x0;
	[sflag:s13] =	ssyncadd.s32 $0xFFFFEC00  }
0x32: {  	[tilespmem:s16], [sflag:$0x1] =	stream.indirect.gather [hbm4b:s5+s15], $0x80, s28, s15, $0xb8;
	[tilespmem:$0x1E800] =	vst v63  }
0x33: {  	_ = 	snop  }
0x34: {  	[tilespmem:s18], [sflag:$0x2] =	stream.indirect.gather [hbm4b:s5+s15], $0x80, s15, s15, $0xb8;
	[tilespmem:$0x1E800] =	vst v63  }
0x35: {  	[spmem:s20], [sflag:s19] =	dma.local [hbm:s8], $0x2800  }
0x36: {  	_ =	swait.ge [sflag:s13], $0x2800  }
0x37: {  	[sflag:s13] =	ssyncset.done $0x0  }
0x38: {  	[sflag:s13] =	ssyncadd.s32 $0xFFFFD800  }
0x39: {  	[bflag:$0x0] =	sbarrier.arrive $0xFFFF  }
0x3a: {  	_ =	swait.ge [sflag:s21], $0x4000  }
0x3b: {  	[sflag:s21] =	ssyncset.done $0x0  }
0x3c: {  	s28 =	simm.s32 $0x1400;
	[sflag:s21] =	ssyncadd.s32 $0xFFFFC000  }
0x3d: {  	[spmem:s2] =	stream.indirect.scatter.add.f32 [tilespmem:s16], [sflag:$0x3], $0x80, s28, s15, $0xb8;
	[tilespmem:$0x1E800] =	vst v63  }
0x3e: {  	_ =	swait.ge [sflag:s13], $0x4000  }
0x3f: {  	[sflag:s13] =	ssyncset.done $0x0  }
0x40: {  	s28 =	simm.s32 $0x100;
	[sflag:s13] =	ssyncadd.s32 $0xFFFFC000  }
0x41: {  	[tilespmem:s16], [sflag:$0x1] =	stream.indirect.gather [hbm4b:s5+s15], $0x80, s28, s15, $0xb8;
	[tilespmem:$0x1E800] =	vst v63  }
0x42: {  	_ =	swait.ge [sflag:s22], $0x4000  }
0x43: {  	[sflag:s22] =	ssyncset.done $0x0  }
0x44: {  	s28 =	simm.s32 $0x1480;
	[sflag:s22] =	ssyncadd.s32 $0xFFFFC000  }
0x45: {  	[spmem:s2] =	stream.indirect.scatter.add.f32 [tilespmem:s18], [sflag:$0x3], $0x80, s28, s15, $0xb8;
	[tilespmem:$0x1E800] =	vst v63  }
0x46: {  	_ =	swait.ge [sflag:s13], $0x4000  }
0x47: {  	[sflag:s13] =	ssyncset.done $0x0  }
0x48: {  	s29 =	simm.s32 $0x180;
	s28 =	simm.s32 $0x400;
	[sflag:s13] =	ssyncadd.s32 $0xFFFFC000  }
.LBB2_8:
0x49: {  	[tilespmem:s18], [sflag:$0x2] =	stream.indirect.gather [hbm4b:s5+s15], $0x80, s29, s15, $0xb8;
	[tilespmem:$0x1E800] =	vst v63  }
0x4a: {  	s29 =	smov.u32 s28  }
0x4b: {  	p1 =	sne.s32 s28, $0x4800;
	s28 =	sadd.s32 $0x400, s28;
	_ =	swait.ge [sflag:s21], $0x4000  }
0x4c: {  	s29 =	sshra.s32 s29, $0x2;
	[sflag:s21] =	ssyncset.done $0x0  }
0x4d: {  	s30 =	sadd.s32 $0x1400, s29;
	[sflag:s21] =	ssyncadd.s32 $0xFFFFC000  }
0x4e: {  	[spmem:s2] =	stream.indirect.scatter.add.f32 [tilespmem:s16], [sflag:$0x3], $0x80, s30, s15, $0xb8;
	[tilespmem:$0x1E800] =	vst v63  }
0x4f: {  	_ =	swait.ge [sflag:s13], $0x4000  }
0x50: {  	[sflag:s13] =	ssyncset.done $0x0  }
0x51: {  	s30 =	sadd.s32 $0x100, s29;
	[sflag:s13] =	ssyncadd.s32 $0xFFFFC000  }
0x52: {  	[tilespmem:s16], [sflag:$0x1] =	stream.indirect.gather [hbm4b:s5+s15], $0x80, s30, s15, $0xb8;
	[tilespmem:$0x1E800] =	vst v63  }
0x53: {  	_ =	swait.ge [sflag:s22], $0x4000  }
0x54: {  	[sflag:s22] =	ssyncset.done $0x0  }
.Ltmp3:
0x55: {  	s30 =	sadd.s32 $0x1480, s29;
	[sflag:s22] =	ssyncadd.s32 $0xFFFFC000;
	(pc) =	sbr.rel @p1 .LBB2_8-.Ltmp3, $4  }
0x56: {  	[spmem:s2] =	stream.indirect.scatter.add.f32 [tilespmem:s18], [sflag:$0x3], $0x80, s30, s15, $0xb8;
	[tilespmem:$0x1E800] =	vst v63  }
0x57: {  	_ =	swait.ge [sflag:s13], $0x4000  }
0x58: {  	[sflag:s13] =	ssyncset.done $0x0  }
0x59: {  	s29 =	sadd.s32 $0x180, s29;
	[sflag:s13] =	ssyncadd.s32 $0xFFFFC000  }
0x5a: {  	[tilespmem:s18], [sflag:$0x2] =	stream.indirect.gather [hbm4b:s5+s15], $0x80, s29, s15, $0xb8;
	[tilespmem:$0x1E800] =	vst v63  }
0x5b: {  	_ =	swait.ge [sflag:s21], $0x4000  }
0x5c: {  	[sflag:s21] =	ssyncset.done $0x0  }
0x5d: {  	[sflag:s21] =	ssyncadd.s32 $0xFFFFC000  }
0x5e: {  	[spmem:s2] =	stream.indirect.scatter.add.f32 [tilespmem:s16], [sflag:$0x3], $0x80, s23, s15, $0xb8;
	[tilespmem:$0x1E800] =	vst v63  }
0x5f: {  	_ =	swait.ge [sflag:s13], $0x4000  }
0x60: {  	[sflag:s13] =	ssyncset.done $0x0  }
0x61: {  	[sflag:s13] =	ssyncadd.s32 $0xFFFFC000  }
0x62: {  	_ =	swait.ge [sflag:s22], $0x4000  }
0x63: {  	[sflag:s22] =	ssyncset.done $0x0  }
0x64: {  	[sflag:s22] =	ssyncadd.s32 $0xFFFFC000  }
0x65: {  	[spmem:s2] =	stream.indirect.scatter.add.f32 [tilespmem:s18], [sflag:$0x3], $0x80, s25, s15, $0xb8;
	[tilespmem:$0x1E800] =	vst v63  }
0x66: {  	_ =	swait.ge [sflag:s13], $0x4000  }
0x67: {  	[sflag:s13] =	ssyncset.done $0x0  }
0x68: {  	s28 =	simm.s32 $0x0;
	[sflag:s13] =	ssyncadd.s32 $0xFFFFC000  }
0x69: {  	[tilespmem:s28], [sflag:$0x3] =	stream.linear.gather [hbm4b:s9+s28], $0x1400, $0x38;
	[tilespmem:$0x1E800] =	vst v63  }
0x6a: {  	_ =	swait.ge [sflag:s13], $0x1400  }
0x6b: {  	[sflag:s13] =	ssyncset.done $0x0  }
0x6c: {  	[sflag:s13] =	ssyncadd.s32 $0xFFFFEC00  }
0x6d: {  	[tilespmem:s14], [sflag:$0x3] =	stream.linear.gather [hbm4b:s10+s28], $0x1400, $0x38;
	[tilespmem:$0x1E800] =	vst v63  }
0x6e: {  	_ =	swait.ge [sflag:s13], $0x1400  }
0x6f: {  	[sflag:s13] =	ssyncset.done $0x0  }
0x70: {  	[sflag:s13] =	ssyncadd.s32 $0xFFFFEC00  }
0x71: {  	[tilespmem:s16], [sflag:$0x1] =	stream.indirect.gather [hbm4b:s5+s15], $0x80, s28, s15, $0xb8;
	[tilespmem:$0x1E800] =	vst v63  }
0x72: {  	_ = 	snop  }
0x73: {  	[tilespmem:s18], [sflag:$0x2] =	stream.indirect.gather [hbm4b:s5+s15], $0x80, s15, s15, $0xb8;
	[tilespmem:$0x1E800] =	vst v63  }
0x74: {  	_ =	swait.ge [sflag:s21], $0x4000  }
0x75: {  	[sflag:s21] =	ssyncset.done $0x0  }
0x76: {  	s28 =	simm.s32 $0x1400;
	[sflag:s21] =	ssyncadd.s32 $0xFFFFC000  }
0x77: {  	[spmem:s2] =	stream.indirect.scatter.add.f32 [tilespmem:s16], [sflag:$0x3], $0x80, s28, s15, $0xb8;
	[tilespmem:$0x1E800] =	vst v63  }
0x78: {  	_ =	swait.ge [sflag:s13], $0x4000  }
0x79: {  	[sflag:s13] =	ssyncset.done $0x0  }
0x7a: {  	s28 =	simm.s32 $0x100;
	[sflag:s13] =	ssyncadd.s32 $0xFFFFC000  }
0x7b: {  	[tilespmem:s16], [sflag:$0x1] =	stream.indirect.gather [hbm4b:s5+s15], $0x80, s28, s15, $0xb8;
	[tilespmem:$0x1E800] =	vst v63  }
0x7c: {  	_ =	swait.ge [sflag:s22], $0x4000  }
0x7d: {  	[sflag:s22] =	ssyncset.done $0x0  }
0x7e: {  	s28 =	simm.s32 $0x1480;
	[sflag:s22] =	ssyncadd.s32 $0xFFFFC000  }
0x7f: {  	[spmem:s2] =	stream.indirect.scatter.add.f32 [tilespmem:s18], [sflag:$0x3], $0x80, s28, s15, $0xb8;
	[tilespmem:$0x1E800] =	vst v63  }
0x80: {  	_ =	swait.ge [sflag:s13], $0x4000  }
0x81: {  	[sflag:s13] =	ssyncset.done $0x0  }
0x82: {  	s29 =	simm.s32 $0x180;
	s28 =	simm.s32 $0x400;
	[sflag:s13] =	ssyncadd.s32 $0xFFFFC000  }
.LBB2_10:
0x83: {  	[tilespmem:s18], [sflag:$0x2] =	stream.indirect.gather [hbm4b:s5+s15], $0x80, s29, s15, $0xb8;
	[tilespmem:$0x1E800] =	vst v63  }
0x84: {  	s29 =	smov.u32 s28  }
0x85: {  	p1 =	sne.s32 s28, $0x4800;
	s28 =	sadd.s32 $0x400, s28;
	_ =	swait.ge [sflag:s21], $0x4000  }
0x86: {  	s29 =	sshra.s32 s29, $0x2;
	[sflag:s21] =	ssyncset.done $0x0  }
0x87: {  	s30 =	sadd.s32 $0x1400, s29;
	[sflag:s21] =	ssyncadd.s32 $0xFFFFC000  }
0x88: {  	[spmem:s2] =	stream.indirect.scatter.add.f32 [tilespmem:s16], [sflag:$0x3], $0x80, s30, s15, $0xb8;
	[tilespmem:$0x1E800] =	vst v63  }
0x89: {  	_ =	swait.ge [sflag:s13], $0x4000  }
0x8a: {  	[sflag:s13] =	ssyncset.done $0x0  }
0x8b: {  	s30 =	sadd.s32 $0x100, s29;
	[sflag:s13] =	ssyncadd.s32 $0xFFFFC000  }
0x8c: {  	[tilespmem:s16], [sflag:$0x1] =	stream.indirect.gather [hbm4b:s5+s15], $0x80, s30, s15, $0xb8;
	[tilespmem:$0x1E800] =	vst v63  }
0x8d: {  	_ =	swait.ge [sflag:s22], $0x4000  }
0x8e: {  	[sflag:s22] =	ssyncset.done $0x0  }
.Ltmp4:
0x8f: {  	s30 =	sadd.s32 $0x1480, s29;
	[sflag:s22] =	ssyncadd.s32 $0xFFFFC000;
	(pc) =	sbr.rel @p1 .LBB2_10-.Ltmp4, $4  }
0x90: {  	[spmem:s2] =	stream.indirect.scatter.add.f32 [tilespmem:s18], [sflag:$0x3], $0x80, s30, s15, $0xb8;
	[tilespmem:$0x1E800] =	vst v63  }
0x91: {  	_ =	swait.ge [sflag:s13], $0x4000  }
0x92: {  	[sflag:s13] =	ssyncset.done $0x0  }
0x93: {  	s29 =	sadd.s32 $0x180, s29;
	[sflag:s13] =	ssyncadd.s32 $0xFFFFC000  }
.Ltmp5:
0x94: {  	_ = 	snop;
	(pc) =	sbr.rel .LBB2_11-.Ltmp5, $1  }
0x95: {  	_ =	sdelay $0x3  }
.LBB2_2:
0x96: {  	[tilespmem:s16], [sflag:$0x1] =	stream.indirect.gather [hbm4b:s1+s15], $0x80, s28, s15, $0xb8;
	[tilespmem:$0x1E800] =	vst v63  }
0x97: {  	s28 =	sor.u32 $0x1C03, s17  }
0x98: {  	[tilespmem:s18], [sflag:$0x2] =	stream.indirect.gather [hbm4b:s1+s15], $0x80, s15, s15, $0xb8;
	[tilespmem:$0x1E800] =	vst v63  }
0x99: {  	[spmem:s20], [sflag:s28] =	dma.local [hbm:s8], $0x2800  }
0x9a: {  	_ =	swait.ge [sflag:s13], $0x2800  }
0x9b: {  	[sflag:s13] =	ssyncset.done $0x0  }
0x9c: {  	[sflag:s13] =	ssyncadd.s32 $0xFFFFD800  }
0x9d: {  	[bflag:$0x0] =	sbarrier.arrive $0xFFFF  }
0x9e: {  	_ =	swait.ge [sflag:s21], $0x4000  }
0x9f: {  	[sflag:s21] =	ssyncset.done $0x0  }
0xa0: {  	s29 =	simm.s32 $0x1400;
	[sflag:s21] =	ssyncadd.s32 $0xFFFFC000  }
0xa1: {  	[spmem:s2] =	stream.indirect.scatter.add.f32 [tilespmem:s16], [sflag:$0x3], $0x80, s29, s15, $0xb8;
	[tilespmem:$0x1E800] =	vst v63  }
0xa2: {  	_ =	swait.ge [sflag:s13], $0x4000  }
0xa3: {  	[sflag:s13] =	ssyncset.done $0x0  }
0xa4: {  	s29 =	simm.s32 $0x100;
	[sflag:s13] =	ssyncadd.s32 $0xFFFFC000  }
0xa5: {  	[tilespmem:s16], [sflag:$0x1] =	stream.indirect.gather [hbm4b:s1+s15], $0x80, s29, s15, $0xb8;
	[tilespmem:$0x1E800] =	vst v63  }
0xa6: {  	_ =	swait.ge [sflag:s22], $0x4000  }
0xa7: {  	[sflag:s22] =	ssyncset.done $0x0  }
0xa8: {  	s29 =	simm.s32 $0x1480;
	[sflag:s22] =	ssyncadd.s32 $0xFFFFC000  }
0xa9: {  	[spmem:s2] =	stream.indirect.scatter.add.f32 [tilespmem:s18], [sflag:$0x3], $0x80, s29, s15, $0xb8;
	[tilespmem:$0x1E800] =	vst v63  }
0xaa: {  	_ =	swait.ge [sflag:s13], $0x4000  }
0xab: {  	[sflag:s13] =	ssyncset.done $0x0  }
0xac: {  	s30 =	simm.s32 $0x180;
	s29 =	simm.s32 $0x400;
	[sflag:s13] =	ssyncadd.s32 $0xFFFFC000  }
.LBB2_3:
0xad: {  	[tilespmem:s18], [sflag:$0x2] =	stream.indirect.gather [hbm4b:s1+s15], $0x80, s30, s15, $0xb8;
	[tilespmem:$0x1E800] =	vst v63  }
0xae: {  	s30 =	smov.u32 s29  }
0xaf: {  	p1 =	sne.s32 s29, $0x4800;
	s29 =	sadd.s32 $0x400, s29;
	_ =	swait.ge [sflag:s21], $0x4000  }
0xb0: {  	s30 =	sshra.s32 s30, $0x2;
	[sflag:s21] =	ssyncset.done $0x0  }
0xb1: {  	s31 =	sadd.s32 $0x1400, s30;
	[sflag:s21] =	ssyncadd.s32 $0xFFFFC000  }
0xb2: {  	[spmem:s2] =	stream.indirect.scatter.add.f32 [tilespmem:s16], [sflag:$0x3], $0x80, s31, s15, $0xb8;
	[tilespmem:$0x1E800] =	vst v63  }
0xb3: {  	_ =	swait.ge [sflag:s13], $0x4000  }
0xb4: {  	[sflag:s13] =	ssyncset.done $0x0  }
0xb5: {  	s31 =	sadd.s32 $0x100, s30;
	[sflag:s13] =	ssyncadd.s32 $0xFFFFC000  }
0xb6: {  	[tilespmem:s16], [sflag:$0x1] =	stream.indirect.gather [hbm4b:s1+s15], $0x80, s31, s15, $0xb8;
	[tilespmem:$0x1E800] =	vst v63  }
0xb7: {  	_ =	swait.ge [sflag:s22], $0x4000  }
0xb8: {  	[sflag:s22] =	ssyncset.done $0x0  }
.Ltmp6:
0xb9: {  	s31 =	sadd.s32 $0x1480, s30;
	[sflag:s22] =	ssyncadd.s32 $0xFFFFC000;
	(pc) =	sbr.rel @p1 .LBB2_3-.Ltmp6, $4  }
0xba: {  	[spmem:s2] =	stream.indirect.scatter.add.f32 [tilespmem:s18], [sflag:$0x3], $0x80, s31, s15, $0xb8;
	[tilespmem:$0x1E800] =	vst v63  }
0xbb: {  	_ =	swait.ge [sflag:s13], $0x4000  }
0xbc: {  	[sflag:s13] =	ssyncset.done $0x0  }
0xbd: {  	s30 =	sadd.s32 $0x180, s30;
	[sflag:s13] =	ssyncadd.s32 $0xFFFFC000  }
0xbe: {  	[tilespmem:s18], [sflag:$0x2] =	stream.indirect.gather [hbm4b:s1+s15], $0x80, s30, s15, $0xb8;
	[tilespmem:$0x1E800] =	vst v63  }
0xbf: {  	_ =	swait.ge [sflag:s21], $0x4000  }
0xc0: {  	[sflag:s21] =	ssyncset.done $0x0  }
0xc1: {  	[sflag:s21] =	ssyncadd.s32 $0xFFFFC000  }
0xc2: {  	[spmem:s2] =	stream.indirect.scatter.add.f32 [tilespmem:s16], [sflag:$0x3], $0x80, s23, s15, $0xb8;
	[tilespmem:$0x1E800] =	vst v63  }
0xc3: {  	_ =	swait.ge [sflag:s13], $0x4000  }
0xc4: {  	[sflag:s13] =	ssyncset.done $0x0  }
0xc5: {  	[sflag:s13] =	ssyncadd.s32 $0xFFFFC000  }
0xc6: {  	_ =	swait.ge [sflag:s22], $0x4000  }
0xc7: {  	[sflag:s22] =	ssyncset.done $0x0  }
0xc8: {  	[sflag:s22] =	ssyncadd.s32 $0xFFFFC000  }
0xc9: {  	[spmem:s2] =	stream.indirect.scatter.add.f32 [tilespmem:s18], [sflag:$0x3], $0x80, s25, s15, $0xb8;
	[tilespmem:$0x1E800] =	vst v63  }
0xca: {  	_ =	swait.ge [sflag:s13], $0x4000  }
0xcb: {  	[sflag:s13] =	ssyncset.done $0x0  }
0xcc: {  	s29 =	simm.s32 $0x0;
	[sflag:s13] =	ssyncadd.s32 $0xFFFFC000  }
0xcd: {  	[tilespmem:s29], [sflag:$0x3] =	stream.linear.gather [hbm4b:s9+s29], $0x1400, $0x38;
	[tilespmem:$0x1E800] =	vst v63  }
0xce: {  	_ =	swait.ge [sflag:s13], $0x1400  }
0xcf: {  	[sflag:s13] =	ssyncset.done $0x0  }
0xd0: {  	[sflag:s13] =	ssyncadd.s32 $0xFFFFEC00  }
0xd1: {  	[tilespmem:s14], [sflag:$0x3] =	stream.linear.gather [hbm4b:s10+s29], $0x1400, $0x38;
	[tilespmem:$0x1E800] =	vst v63  }
0xd2: {  	_ =	swait.ge [sflag:s13], $0x1400  }
0xd3: {  	[sflag:s13] =	ssyncset.done $0x0  }
0xd4: {  	[sflag:s13] =	ssyncadd.s32 $0xFFFFEC00  }
0xd5: {  	[tilespmem:s16], [sflag:$0x1] =	stream.indirect.gather [hbm4b:s1+s15], $0x80, s29, s15, $0xb8;
	[tilespmem:$0x1E800] =	vst v63  }
0xd6: {  	_ = 	snop  }
0xd7: {  	[tilespmem:s18], [sflag:$0x2] =	stream.indirect.gather [hbm4b:s1+s15], $0x80, s15, s15, $0xb8;
	[tilespmem:$0x1E800] =	vst v63  }
0xd8: {  	_ =	swait.ge [sflag:s21], $0x4000  }
0xd9: {  	[sflag:s21] =	ssyncset.done $0x0  }
0xda: {  	s29 =	simm.s32 $0x1400;
	[sflag:s21] =	ssyncadd.s32 $0xFFFFC000  }
0xdb: {  	[spmem:s2] =	stream.indirect.scatter.add.f32 [tilespmem:s16], [sflag:$0x3], $0x80, s29, s15, $0xb8;
	[tilespmem:$0x1E800] =	vst v63  }
0xdc: {  	_ =	swait.ge [sflag:s13], $0x4000  }
0xdd: {  	[sflag:s13] =	ssyncset.done $0x0  }
0xde: {  	s29 =	simm.s32 $0x100;
	[sflag:s13] =	ssyncadd.s32 $0xFFFFC000  }
0xdf: {  	[tilespmem:s16], [sflag:$0x1] =	stream.indirect.gather [hbm4b:s1+s15], $0x80, s29, s15, $0xb8;
	[tilespmem:$0x1E800] =	vst v63  }
0xe0: {  	_ =	swait.ge [sflag:s22], $0x4000  }
0xe1: {  	[sflag:s22] =	ssyncset.done $0x0  }
0xe2: {  	s29 =	simm.s32 $0x1480;
	[sflag:s22] =	ssyncadd.s32 $0xFFFFC000  }
0xe3: {  	[spmem:s2] =	stream.indirect.scatter.add.f32 [tilespmem:s18], [sflag:$0x3], $0x80, s29, s15, $0xb8;
	[tilespmem:$0x1E800] =	vst v63  }
0xe4: {  	_ =	swait.ge [sflag:s13], $0x4000  }
0xe5: {  	[sflag:s13] =	ssyncset.done $0x0  }
0xe6: {  	s30 =	simm.s32 $0x180;
	s29 =	simm.s32 $0x400;
	[sflag:s13] =	ssyncadd.s32 $0xFFFFC000  }
.LBB2_5:
0xe7: {  	[tilespmem:s18], [sflag:$0x2] =	stream.indirect.gather [hbm4b:s1+s15], $0x80, s30, s15, $0xb8;
	[tilespmem:$0x1E800] =	vst v63  }
0xe8: {  	s30 =	smov.u32 s29  }
0xe9: {  	p1 =	sne.s32 s29, $0x4800;
	s29 =	sadd.s32 $0x400, s29;
	_ =	swait.ge [sflag:s21], $0x4000  }
0xea: {  	s30 =	sshra.s32 s30, $0x2;
	[sflag:s21] =	ssyncset.done $0x0  }
0xeb: {  	s31 =	sadd.s32 $0x1400, s30;
	[sflag:s21] =	ssyncadd.s32 $0xFFFFC000  }
0xec: {  	[spmem:s2] =	stream.indirect.scatter.add.f32 [tilespmem:s16], [sflag:$0x3], $0x80, s31, s15, $0xb8;
	[tilespmem:$0x1E800] =	vst v63  }
0xed: {  	_ =	swait.ge [sflag:s13], $0x4000  }
0xee: {  	[sflag:s13] =	ssyncset.done $0x0  }
0xef: {  	s31 =	sadd.s32 $0x100, s30;
	[sflag:s13] =	ssyncadd.s32 $0xFFFFC000  }
0xf0: {  	[tilespmem:s16], [sflag:$0x1] =	stream.indirect.gather [hbm4b:s1+s15], $0x80, s31, s15, $0xb8;
	[tilespmem:$0x1E800] =	vst v63  }
0xf1: {  	_ =	swait.ge [sflag:s22], $0x4000  }
0xf2: {  	[sflag:s22] =	ssyncset.done $0x0  }
.Ltmp7:
0xf3: {  	s31 =	sadd.s32 $0x1480, s30;
	[sflag:s22] =	ssyncadd.s32 $0xFFFFC000;
	(pc) =	sbr.rel @p1 .LBB2_5-.Ltmp7, $4  }
0xf4: {  	[spmem:s2] =	stream.indirect.scatter.add.f32 [tilespmem:s18], [sflag:$0x3], $0x80, s31, s15, $0xb8;
	[tilespmem:$0x1E800] =	vst v63  }
0xf5: {  	_ =	swait.ge [sflag:s13], $0x4000  }
0xf6: {  	[sflag:s13] =	ssyncset.done $0x0  }
0xf7: {  	s30 =	sadd.s32 $0x180, s30;
	[sflag:s13] =	ssyncadd.s32 $0xFFFFC000  }
0xf8: {  	[tilespmem:s18], [sflag:$0x2] =	stream.indirect.gather [hbm4b:s1+s15], $0x80, s30, s15, $0xb8;
	[tilespmem:$0x1E800] =	vst v63  }
0xf9: {  	_ =	swait.ge [sflag:s21], $0x4000  }
0xfa: {  	[sflag:s21] =	ssyncset.done $0x0  }
0xfb: {  	[sflag:s21] =	ssyncadd.s32 $0xFFFFC000  }
0xfc: {  	[spmem:s2] =	stream.indirect.scatter.add.f32 [tilespmem:s16], [sflag:$0x3], $0x80, s23, s15, $0xb8;
	[tilespmem:$0x1E800] =	vst v63  }
0xfd: {  	_ =	swait.ge [sflag:s13], $0x4000  }
0xfe: {  	[sflag:s13] =	ssyncset.done $0x0  }
0xff: {  	[sflag:s13] =	ssyncadd.s32 $0xFFFFC000  }
0x100: {  	_ =	swait.ge [sflag:s22], $0x4000  }
0x101: {  	[sflag:s22] =	ssyncset.done $0x0  }
0x102: {  	[sflag:s22] =	ssyncadd.s32 $0xFFFFC000  }
0x103: {  	[spmem:s2] =	stream.indirect.scatter.add.f32 [tilespmem:s18], [sflag:$0x3], $0x80, s25, s15, $0xb8;
	[tilespmem:$0x1E800] =	vst v63  }
.Ltmp8:
0x104: {  	_ =	swait.ge [sflag:s13], $0x4000;
	(pc) =	sbr.rel .LBB2_12-.Ltmp8, $4  }
0x105: {  	[sflag:s13] =	ssyncset.done $0x0  }
0x106: {  	[sflag:s13] =	ssyncadd.s32 $0xFFFFC000  }
0x107: {  	[bflag:$0x0] =	sbarrier.arrive $0xFFFF  }
0x108: {  	s29 =	smov.u32 s11  }
.LBB2_13:
0x109: {  	_ =	sfence.sel $0x180000  }
0x10a: {  	[bflag:$0x0] =	sbarrier.arrive $0xFFFF  }
0x10b: {  	p0 =	sne.s32 s4, $0x0;
	_ =	strace $0x9000004A  }
0x10c: {  	s0 =	sadd.s32 @!p0 $0x100000, s0;
	[bflag:$0x2] =	sbarrier.arrive $0xFFFF  }
0x10d: {  	[sflag:s0] =	ssyncadd.tile.s32 @!p0 $0x1;
	_ =	shalt  }
.Lfunc_end2:
_tile_overlayer_lowered:
.L_overlay_start_2:
0x10e: {  	(tag) =	ssettag $0x2  }
0x10f: {  	s0 =	rddreg [dreg:$0x0];
	s2 =	stileid.u32  }
0x110: {  	s1 =	rddreg [dreg:$0x1];
	p0 =	sne.s32 s2, $0x0  }
0x111: {  	s3 =	rddreg [dreg:$0x2];
	[bflag:$0x3] =	sbarrier.arrive $0xFFFF;
	s2 =	simm.s32 @!p0 $0x1C03  }
0x112: {  	[timem:s3], [sflag:s2] =	dma.local @!p0 [hbm:s0], s1  }
0x113: {  	s0 =	simm.s32 @!p0 $0x3  }
0x114: {  	_ =	swait.ge @!p0 [sflag:s0], s1  }
0x115: {  	s1 =	ssub.s32 @!p0 $0x0, s1;
	[sflag:s0] =	ssyncset.done @!p0 $0x0  }
0x116: {  	[sflag:s0] =	ssyncadd.s32 @!p0 s1  }
0x117: {  	[bflag:$0x3] =	sbarrier.arrive $0xFFFF  }
0x118: {  	_ =	shalt  }

</sc_bundles>
